<compile_context>
chip_gen: v7x
topology: tpu7x:2x2x1
jax: 0.10.2.dev20260603
libtpu: 0.0.44.dev20260713+nightly
codegen_flags: <defaults>
</compile_context>

<pallas_src>
import functools

import jax
import jax.numpy as jnp
from jax import lax
from jax.experimental import pallas as pl
from jax.experimental.pallas import tpu as pltpu
from jax.experimental.pallas import tpu_sc as plsc

B, D, C = 2048, 1024, 200
K_RANGE = (2, 3, 4, 5)
KSUM = sum(K_RANGE)
OFFS = (0, 400, 1000, 1800)
ENDS = (400, 1000, 1800, 2800)
NP_TOT = 2800
NP_PAD = 2816
BLK_B = 512
NB = B // BLK_B
NG = len(K_RANGE)

_I32_MAX = jnp.iinfo(jnp.int32).max


def _dist_kernel(x_ref, xsq_ref, p_ref, n2_ref,
                 sel_ref, cls_ref, mins_ref, counts_ref):
    pid = pl.program_id(0)
    x = x_ref[...]
    p = p_ref[...]
    s = lax.dot_general(x, p, (((1,), (1,)), ((), ())),
                        precision=lax.Precision.DEFAULT,
                        preferred_element_type=jnp.float32)
    d2 = (xsq_ref[...] + n2_ref[...]) - 2.0 * s
    li = lax.broadcasted_iota(jnp.int32, (BLK_B, NP_PAD), 1)
    ci = lax.broadcasted_iota(jnp.int32, (BLK_B, 256), 1)
    sels, clss, mins, cnts = [], [], [], []
    for g in range(NG):
        m = (li >= OFFS[g]) & (li < ENDS[g])
        dm = jnp.where(m, d2, jnp.inf)
        gmin = jnp.min(dm, axis=1, keepdims=True)
        idx = jnp.min(jnp.where(m & (dm == gmin), li, _I32_MAX),
                      axis=1, keepdims=True)
        cls = (idx - OFFS[g]) // K_RANGE[g]
        sels.append(idx)
        clss.append(cls)
        mins.append(gmin)
        cnts.append(jnp.sum((cls == ci).astype(jnp.float32),
                            axis=0, keepdims=True))
    sel_ref[...] = jnp.concatenate(sels + sels, axis=1)
    cls_ref[...] = jnp.concatenate(clss, axis=1)
    minsum = jnp.sum(jnp.concatenate(mins, axis=1), axis=0, keepdims=True)
    mins_ref[...] = minsum.reshape(1, 1, NG)

    @pl.when(pid == 0)
    def _():
        counts_ref[...] = jnp.zeros((NG, 256), jnp.float32)

    counts_ref[...] += jnp.concatenate(cnts, axis=0)


def _dist_call(x, xsq, ppad, n2pad):
    return pl.pallas_call(
        _dist_kernel,
        grid=(NB,),
        in_specs=[
            pl.BlockSpec((BLK_B, D), lambda i: (i, 0)),
            pl.BlockSpec((BLK_B, 1), lambda i: (i, 0)),
            pl.BlockSpec((NP_PAD, D), lambda i: (0, 0)),
            pl.BlockSpec((1, NP_PAD), lambda i: (0, 0)),
        ],
        out_specs=[
            pl.BlockSpec((BLK_B, 2 * NG), lambda i: (i, 0)),
            pl.BlockSpec((BLK_B, NG), lambda i: (i, 0)),
            pl.BlockSpec((1, 1, NG), lambda i: (i, 0, 0)),
            pl.BlockSpec((NG, 256), lambda i: (0, 0)),
        ],
        out_shape=[
            jax.ShapeDtypeStruct((B, 2 * NG), jnp.int32),
            jax.ShapeDtypeStruct((B, NG), jnp.int32),
            jax.ShapeDtypeStruct((NB, 1, NG), jnp.float32),
            jax.ShapeDtypeStruct((NG, 256), jnp.float32),
        ],
    )(x, xsq, ppad, n2pad)


LCH = 704
NLCH = NP_PAD // LCH


def _loss_kernel(p_ref, cv_ref, mins_ref, out_ref, g1_acc, u_acc, s2_acc):
    pid = pl.program_id(0)
    hi = lax.Precision.HIGHEST

    @pl.when(pid == 0)
    def _():
        g1_acc[...] = jnp.zeros((D, D), jnp.float32)
        u_acc[...] = jnp.zeros((16, D), jnp.float32)
        s2_acc[...] = jnp.zeros((16, D), jnp.float32)

    p = p_ref[...]
    rr0 = lax.broadcasted_iota(jnp.int32, (LCH, 256), 0) + pid * LCH
    cc = lax.broadcasted_iota(jnp.int32, (LCH, 256), 1)
    ohs = []
    for g in range(NG):
        t = rr0 - OFFS[g] - cc * K_RANGE[g]
        ohs.append(jnp.where((t >= 0) & (t < K_RANGE[g]), 1.0, 0.0))
    oh = jnp.concatenate(ohs, axis=1)
    w = lax.dot_general(oh, cv_ref[...], (((1,), (0,)), ((), ())),
                        precision=hi, preferred_element_type=jnp.float32)
    a = p * w
    g1_acc[...] += lax.dot_general(p, a, (((0,), (0,)), ((), ())),
                                   precision=lax.Precision.DEFAULT,
                                   preferred_element_type=jnp.float32)
    jj = lax.broadcasted_iota(jnp.int32, (16, LCH), 0)
    rr = lax.broadcasted_iota(jnp.int32, (16, LCH), 1) + pid * LCH
    off = jnp.where(jj < 2, 0, jnp.where(jj < 5, 400,
                                         jnp.where(jj < 9, 1000, 1800)))
    kj = jnp.where(jj < 2, 2, jnp.where(jj < 5, 3, jnp.where(jj < 9, 4, 5)))
    kb = jnp.where(jj < 2, 0, jnp.where(jj < 5, 2, jnp.where(jj < 9, 5, 9)))
    valid = (jj < KSUM) & (rr >= off) & (rr < off + C * kj)
    slot = lax.rem(rr - off, kj) == (jj - kb)
    smat = jnp.where(valid & slot, 1.0, 0.0)
    u_acc[...] += lax.dot_general(smat, a, (((1,), (0,)), ((), ())),
                                  precision=hi,
                                  preferred_element_type=jnp.float32)
    s2_acc[...] += lax.dot_general(smat, a * p, (((1,), (0,)), ((), ())),
                                   precision=hi,
                                   preferred_element_type=jnp.float32)

    @pl.when(pid == NLCH - 1)
    def _():
        m = u_acc[...] * (1.0 / B)
        mtm = lax.dot_general(m, m, (((0,), (0,)), ((), ())),
                              precision=hi, preferred_element_type=jnp.float32)
        n_tot = B * KSUM
        cov = (g1_acc[...] - B * mtm) * (1.0 / (n_tot - 1))
        covsq = cov * cov
        ii = lax.broadcasted_iota(jnp.int32, (D, D), 0)
        ll = lax.broadcasted_iota(jnp.int32, (D, D), 1)
        cov_loss = jnp.sum(jnp.where(ii == ll, 0.0, covsq)) * (1.0 / D)
        var = (s2_acc[...] - B * (m * m)) * (1.0 / (B - 1))
        std = jnp.sqrt(var + 1e-4)
        rowok = lax.broadcasted_iota(jnp.int32, (16, D), 0) < KSUM
        std_loss = jnp.sum(jnp.where(rowok, jnp.maximum(1.0 - std, 0.0), 0.0)) \
            * (1.0 / (KSUM * D))
        repr_loss = jnp.sum(mins_ref[...]) * (1.0 / (B * NG * D))
        loss = 25.0 * repr_loss + 25.0 * std_loss + cov_loss
        out_ref[...] = jnp.reshape(loss, (1, 1))


def _loss_call(ppad, cv, mins):
    return pl.pallas_call(
        _loss_kernel,
        grid=(NLCH,),
        in_specs=[
            pl.BlockSpec((LCH, D), lambda i: (i, 0)),
            pl.BlockSpec((1024, 1), lambda i: (0, 0)),
            pl.BlockSpec((NB, 1, NG), lambda i: (0, 0, 0)),
        ],
        out_specs=pl.BlockSpec((1, 1), lambda i: (0, 0)),
        out_shape=jax.ShapeDtypeStruct((1, 1), jnp.float32),
        scratch_shapes=[
            pltpu.VMEM((D, D), jnp.float32),
            pltpu.VMEM((16, D), jnp.float32),
            pltpu.VMEM((16, D), jnp.float32),
        ],
    )(ppad, cv, mins)


NBW = B // 32


def _gather_body(p_hbm, idxn_hbm, idxp_hbm, outn_hbm, outp_hbm,
                 idx_v, n0, n1, n2, n3, bA, bB, gsemA, gsemB, osemA, osemB):
    wid = lax.axis_index("s") * 2 + lax.axis_index("c")
    b0 = pl.multiple_of(wid * NBW, NBW)
    NOFF = KSUM * NBW

    for j in range(KSUM):
        pltpu.async_copy(
            idxp_hbm.at[pl.ds(pl.multiple_of(j * B + wid * NBW, 64), NBW)],
            idx_v.at[pl.ds(j * NBW, NBW)], gsemA)
    pltpu.async_copy(
        idxn_hbm.at[pl.ds(pl.multiple_of(wid * NBW * 8, 8), NBW * 8)],
        idx_v.at[pl.ds(NOFF, NBW * 8)], gsemA)
    for j in range(KSUM):
        pltpu.make_async_copy(idxp_hbm.at[pl.ds(0, NBW)],
                              idx_v.at[pl.ds(0, NBW)], gsemA).wait()
    pltpu.make_async_copy(idxn_hbm.at[pl.ds(0, NBW * 8)],
                          idx_v.at[pl.ds(0, NBW * 8)], gsemA).wait()

    pA32 = bA
    pB32 = bB

    def p_gather(c, buf, sem):
        j = c // 2
        half = c - 2 * j
        st = pl.multiple_of(j * NBW + 32 * half, 32)
        pltpu.async_copy(p_hbm.at[idx_v.at[pl.ds(st, 32)]], buf, sem)

    def p_gwait(buf, sem):
        pltpu.make_async_copy(p_hbm.at[idx_v.at[pl.ds(0, 32)]],
                              buf, sem).wait()

    def p_write(c, buf, sem):
        j = c // 2
        half = c - 2 * j
        pltpu.async_copy(buf, outp_hbm.at[j, pl.ds(b0 + 32 * half, 32)],
                         sem)

    def p_wdrain(sem):
        pltpu.make_async_copy(pA32, outp_hbm.at[0, pl.ds(b0, 32)],
                              sem).wait()

    p_gather(0, pA32, gsemA)

    def bodyp(t, carry):
        c0 = 2 * t

        @pl.when(t > 0)
        def _():
            p_wdrain(osemB)

        p_gather(c0 + 1, pB32, gsemB)
        p_gwait(pA32, gsemA)
        p_write(c0, pA32, osemA)

        @pl.when(t < KSUM - 1)
        def _():
            p_wdrain(osemA)
            p_gather(c0 + 2, pA32, gsemA)

        p_gwait(pB32, gsemB)
        p_write(c0 + 1, pB32, osemB)
        return carry

    lax.fori_loop(0, KSUM, bodyp, 0)
    p_wdrain(osemA)
    p_wdrain(osemB)

    def n_gather(t, bx, by, sem):
        st = pl.multiple_of(NOFF + 16 * t, 8)
        pltpu.async_copy(p_hbm.at[idx_v.at[pl.ds(st, NG)]], bx, sem)
        pltpu.async_copy(p_hbm.at[idx_v.at[pl.ds(st + 8, NG)]], by, sem)

    def n_gwait(bx, by, sem):
        pltpu.make_async_copy(p_hbm.at[idx_v.at[pl.ds(NOFF, NG)]],
                              bx, sem).wait()
        pltpu.make_async_copy(p_hbm.at[idx_v.at[pl.ds(NOFF, NG)]],
                              by, sem).wait()

    def n_wdrain(sem):
        pltpu.make_async_copy(n0, outn_hbm.at[b0], sem).wait()
        pltpu.make_async_copy(n1, outn_hbm.at[b0], sem).wait()

    n_gather(0, n0, n1, gsemA)

    def bodyn(t, carry):
        b = b0 + 2 * t
        even = lax.rem(t, 2) == 0
        more = t < NBW // 2 - 1

        @pl.when(even)
        def _():
            @pl.when(more)
            def _():
                @pl.when(t > 0)
                def _():
                    n_wdrain(osemB)

                n_gather(t + 1, n2, n3, gsemB)

            n_gwait(n0, n1, gsemA)
            pltpu.async_copy(n0, outn_hbm.at[b], osemA)
            pltpu.async_copy(n1, outn_hbm.at[b + 1], osemA)

        @pl.when(jnp.logical_not(even))
        def _():
            @pl.when(more)
            def _():
                n_wdrain(osemA)
                n_gather(t + 1, n0, n1, gsemA)

            n_gwait(n2, n3, gsemB)
            pltpu.async_copy(n2, outn_hbm.at[b], osemB)
            pltpu.async_copy(n3, outn_hbm.at[b + 1], osemB)

        return carry

    lax.fori_loop(0, NBW // 2, bodyn, 0)
    n_wdrain(osemA)
    n_wdrain(osemB)


def _gather_call(ppad, idx_n8, idx_pjT):
    mesh = plsc.VectorSubcoreMesh(core_axis_name="c", subcore_axis_name="s")
    f = pl.kernel(
        _gather_body,
        out_type=[
            jax.ShapeDtypeStruct((B, NG, D), jnp.float32),
            jax.ShapeDtypeStruct((KSUM, B, D), jnp.float32),
        ],
        mesh=mesh,
        scratch_types=[
            pltpu.VMEM((NBW * (KSUM + 8),), jnp.int32),
            pltpu.VMEM((NG, D), jnp.float32),
            pltpu.VMEM((NG, D), jnp.float32),
            pltpu.VMEM((NG, D), jnp.float32),
            pltpu.VMEM((NG, D), jnp.float32),
            pltpu.VMEM((32, D), jnp.float32),
            pltpu.VMEM((32, D), jnp.float32),
            pltpu.SemaphoreType.DMA,
            pltpu.SemaphoreType.DMA,
            pltpu.SemaphoreType.DMA,
            pltpu.SemaphoreType.DMA,
        ],
    )
    return f(ppad, idx_n8, idx_pjT)


def kernel(x, P2, P3, P4, P5):
    groups = (P2, P3, P4, P5)
    flats = [g.reshape(C * k, D) for g, k in zip(groups, K_RANGE)]
    n2 = jnp.concatenate([jnp.sum(f ** 2, axis=1) for f in flats])
    ppad = jnp.concatenate(
        flats + [jnp.zeros((NP_PAD - NP_TOT, D), jnp.float32)], axis=0)
    n2pad = jnp.pad(n2, (0, NP_PAD - NP_TOT)).reshape(1, NP_PAD)
    xsq = jnp.sum(x ** 2, axis=1, keepdims=True)

    sel, cls, mins, counts = _dist_call(x, xsq, ppad, n2pad)

    loss = _loss_call(ppad, counts.reshape(1024, 1), mins)[0, 0]

    idx_n8 = sel.reshape(-1)
    idx_p = jnp.concatenate(
        [OFFS[g] + cls[:, g:g + 1] * K_RANGE[g]
         + jnp.arange(K_RANGE[g], dtype=jnp.int32)[None, :]
         for g in range(NG)], axis=1)
    idx_pjT = idx_p.T.reshape(-1)

    nearest_prototypes, proto_jb = _gather_call(ppad, idx_n8, idx_pjT)
    prototype_set = jnp.transpose(proto_jb, (1, 0, 2))
    class_indices = cls[:, NG - 1]
    return loss, nearest_prototypes, prototype_set, class_indices

# --- scband reference (transcript-rebuilt; emitter-appended) ---
"""Pipeline reference for scband-prototype-based-classifier-66769561584356 (READ-ONLY COPY).

The authoritative reference and input builder live on the scoring server;
editing this copy changes nothing except your own understanding.
"""

import jax, jax.numpy as jnp
import numpy as np

B, D, C = 2048, 1024, 200
K_RANGE = [2, 3, 4, 5]


def setup_inputs(seed: int = 0) -> dict:
    key = jax.random.key(seed)
    ks = jax.random.split(key, 1 + len(K_RANGE))
    inp = {"x": jax.random.normal(ks[0], (B, D), dtype=jnp.float32)}
    for i, K in enumerate(K_RANGE):
        # nn.Parameter(torch.randn(K, embed_dim)) per class, stacked over classes -> (C, K, D)
        inp[f"P{K}"] = jax.random.normal(ks[i + 1], (C, K, D), dtype=jnp.float32)
    return inp


def _off_diag_sq_sum(cov):
    # sum of squared off-diagonal elements of a square matrix
    return jnp.sum(cov ** 2) - jnp.sum(jnp.diag(cov) ** 2)


def _forward(x, P2, P3, P4, P5):
    b, d = x.shape
    groups = [P2, P3, P4, P5]
    nearest_list = []
    proto_set_list = []
    class_indices = None
    x_sq = jnp.sum(x ** 2, axis=1, keepdims=True)
    for Pg in groups:
        c, k, dd = Pg.shape
        flat = Pg.reshape(c * k, dd)
        # squared euclidean distances (argmin-equivalent to torch.cdist p=2)
        d2 = x_sq + jnp.sum(flat ** 2, axis=1)[None, :] - 2.0 * (x @ flat.T)
        idx = jnp.argmin(d2, axis=1)
        cls = idx // k
        nearest_list.append(jnp.take(flat, idx, axis=0))
        proto_set_list.append(jnp.take(Pg, cls, axis=0))  # (B, K, D)
        class_indices = cls  # overwritten each loop, as in the torch code
    nearest_prototypes = jnp.stack(nearest_list, axis=1)        # (B, len(K_range), D)
    prototype_set = jnp.concatenate(proto_set_list, axis=1)     # (B, sum(K_range), D)

    # CustomVICReg(num_features=embed_dim) with defaults sim=25, std=25, cov=1
    sim_coeff, std_coeff, cov_coeff = 25.0, 25.0, 1.0
    kn = nearest_prototypes.shape[1]
    x_exp = jnp.repeat(x[:, None, :], kn, axis=1)
    repr_loss = jnp.mean((x_exp - nearest_prototypes) ** 2)

    ps = prototype_set - jnp.mean(prototype_set, axis=0)
    std_p = jnp.sqrt(jnp.var(ps, axis=0, ddof=1) + 0.0001)  # torch var is unbiased
    std_loss = jnp.mean(jax.nn.relu(1.0 - std_p))

    kp = ps.shape[1]
    ps_flat = ps.reshape(b * kp, d)
    cov = (ps_flat.T @ ps_flat) / (ps_flat.shape[0] - 1)
    cov_loss = _off_diag_sq_sum(cov) / d

    loss = sim_coeff * repr_loss + std_coeff * std_loss + cov_coeff * cov_loss
    return loss, nearest_prototypes, prototype_set, class_indices


def reference(x, P2, P3, P4, P5):
    # backbone is identity; PrototypeNetwork forward + CustomVICReg regularizer
    return _forward(x, P2, P3, P4, P5)

if __name__ == "__main__":
    import jax
    _d = setup_inputs()
    print(jax.jit(kernel)(*tuple(_d.values())))

</pallas_src>

<mosaic_0001>
#map = affine_map<(d0, d1) -> (0, 0)>
#map1 = affine_map<(d0, d1) -> (0)>
#map2 = affine_map<(d0, d1) -> (0, 0, 0)>
module attributes {stable_mosaic.version = 14 : i64} {
  func.func @_gather_body(%arg0: i32, %arg1: i32, %arg2: memref<2816x1024xf32, #tpu.memory_space<hbm>>, %arg3: memref<16384xi32, #tpu.memory_space<hbm>>, %arg4: memref<28672xi32, #tpu.memory_space<hbm>>, %arg5: memref<2048x4x1024xf32, #tpu.memory_space<hbm>>, %arg6: memref<14x2048x1024xf32, #tpu.memory_space<hbm>>, %arg7: memref<1408xi32, #tpu.memory_space<vmem>>, %arg8: memref<4x1024xf32, #tpu.memory_space<vmem>>, %arg9: memref<4x1024xf32, #tpu.memory_space<vmem>>, %arg10: memref<4x1024xf32, #tpu.memory_space<vmem>>, %arg11: memref<4x1024xf32, #tpu.memory_space<vmem>>, %arg12: memref<32x1024xf32, #tpu.memory_space<vmem>>, %arg13: memref<32x1024xf32, #tpu.memory_space<vmem>>, %arg14: memref<!tpu.dma_semaphore, #tpu.memory_space<semaphore_mem>>, %arg15: memref<!tpu.dma_semaphore, #tpu.memory_space<semaphore_mem>>, %arg16: memref<!tpu.dma_semaphore, #tpu.memory_space<semaphore_mem>>, %arg17: memref<!tpu.dma_semaphore, #tpu.memory_space<semaphore_mem>>) attributes {dimension_semantics = [#tpu.dimension_semantics<core_parallel>, #tpu.dimension_semantics<subcore_parallel>], iteration_bounds = array<i64: 2, 16>, scalar_prefetch = 0 : i64, scratch_operands = 11 : i64, tpu.core_type = #tpu.core_type<sc_vector_subcore>, window_params = [{transform_indices = #map}, {transform_indices = #map1}, {transform_indices = #map1}, {transform_indices = #map2}, {transform_indices = #map2}]} {
    %mul3A = arith.constant 2 : i32
    %mul3A_0 = arith.muli %arg1, %mul3A : i32
    %add3A = arith.addi %mul3A_0, %arg0 : i32
    %mul3A_1 = arith.constant 64 : i32
    %mul3A_2 = arith.muli %add3A, %mul3A_1 : i32
    %multiple_of3A = tpu.assume_multiple %mul3A_2, 64 : i32
    %mul3A_3 = arith.constant 64 : i32
    %mul3A_4 = arith.muli %add3A, %mul3A_3 : i32
    %add3A_5 = arith.constant 0 : i32
    %add3A_6 = arith.addi %add3A_5, %mul3A_4 : i32
    %multiple_of3A_7 = tpu.assume_multiple %add3A_6, 64 : i32
    %dma_start3A = arith.constant 0 : i32
    %dma_start3A_8 = tpu.memref_slice %arg7[%dma_start3A] : memref<1408xi32, #tpu.memory_space<vmem>> -> memref<64xi32, #tpu.memory_space<vmem>>
    %dma_start3A_9 = tpu.memref_slice %arg4[%multiple_of3A_7] : memref<28672xi32, #tpu.memory_space<hbm>> -> memref<64xi32, #tpu.memory_space<hbm>>
    %dma_start3A_10 = arith.constant 0 : i32
    %dma_start3A_11 = tpu.memref_slice %arg7[%dma_start3A_10] : memref<1408xi32, #tpu.memory_space<vmem>> -> memref<64xi32, #tpu.memory_space<vmem>>
    %dma_start3A_12 = tpu.memref_slice %arg4[%multiple_of3A_7] : memref<28672xi32, #tpu.memory_space<hbm>> -> memref<64xi32, #tpu.memory_space<hbm>>
    tpu.enqueue_dma source(%dma_start3A_12 : memref<64xi32, #tpu.memory_space<hbm>>) target(%dma_start3A_11 : memref<64xi32, #tpu.memory_space<vmem>>) target_semaphore(%arg14 : memref<!tpu.dma_semaphore, #tpu.memory_space<semaphore_mem>>)
    %mul3A_13 = arith.constant 64 : i32
    %mul3A_14 = arith.muli %add3A, %mul3A_13 : i32
    %add3A_15 = arith.constant 2048 : i32
    %add3A_16 = arith.addi %add3A_15, %mul3A_14 : i32
    %multiple_of3A_17 = tpu.assume_multiple %add3A_16, 64 : i32
    %dma_start3A_18 = arith.constant 64 : i32
    %dma_start3A_19 = tpu.memref_slice %arg7[%dma_start3A_18] : memref<1408xi32, #tpu.memory_space<vmem>> -> memref<64xi32, #tpu.memory_space<vmem>>
    %dma_start3A_20 = tpu.memref_slice %arg4[%multiple_of3A_17] : memref<28672xi32, #tpu.memory_space<hbm>> -> memref<64xi32, #tpu.memory_space<hbm>>
    %dma_start3A_21 = arith.constant 64 : i32
    %dma_start3A_22 = tpu.memref_slice %arg7[%dma_start3A_21] : memref<1408xi32, #tpu.memory_space<vmem>> -> memref<64xi32, #tpu.memory_space<vmem>>
    %dma_start3A_23 = tpu.memref_slice %arg4[%multiple_of3A_17] : memref<28672xi32, #tpu.memory_space<hbm>> -> memref<64xi32, #tpu.memory_space<hbm>>
    tpu.enqueue_dma source(%dma_start3A_23 : memref<64xi32, #tpu.memory_space<hbm>>) target(%dma_start3A_22 : memref<64xi32, #tpu.memory_space<vmem>>) target_semaphore(%arg14 : memref<!tpu.dma_semaphore, #tpu.memory_space<semaphore_mem>>)
    %mul3A_24 = arith.constant 64 : i32
    %mul3A_25 = arith.muli %add3A, %mul3A_24 : i32
    %add3A_26 = arith.constant 4096 : i32
    %add3A_27 = arith.addi %add3A_26, %mul3A_25 : i32
    %multiple_of3A_28 = tpu.assume_multiple %add3A_27, 64 : i32
    %dma_start3A_29 = arith.constant 128 : i32
    %dma_start3A_30 = tpu.memref_slice %arg7[%dma_start3A_29] : memref<1408xi32, #tpu.memory_space<vmem>> -> memref<64xi32, #tpu.memory_space<vmem>>
    %dma_start3A_31 = tpu.memref_slice %arg4[%multiple_of3A_28] : memref<28672xi32, #tpu.memory_space<hbm>> -> memref<64xi32, #tpu.memory_space<hbm>>
    %dma_start3A_32 = arith.constant 128 : i32
    %dma_start3A_33 = tpu.memref_slice %arg7[%dma_start3A_32] : memref<1408xi32, #tpu.memory_space<vmem>> -> memref<64xi32, #tpu.memory_space<vmem>>
    %dma_start3A_34 = tpu.memref_slice %arg4[%multiple_of3A_28] : memref<28672xi32, #tpu.memory_space<hbm>> -> memref<64xi32, #tpu.memory_space<hbm>>
    tpu.enqueue_dma source(%dma_start3A_34 : memref<64xi32, #tpu.memory_space<hbm>>) target(%dma_start3A_33 : memref<64xi32, #tpu.memory_space<vmem>>) target_semaphore(%arg14 : memref<!tpu.dma_semaphore, #tpu.memory_space<semaphore_mem>>)
    %mul3A_35 = arith.constant 64 : i32
    %mul3A_36 = arith.muli %add3A, %mul3A_35 : i32
    %add3A_37 = arith.constant 6144 : i32
    %add3A_38 = arith.addi %add3A_37, %mul3A_36 : i32
    %multiple_of3A_39 = tpu.assume_multiple %add3A_38, 64 : i32
    %dma_start3A_40 = arith.constant 192 : i32
    %dma_start3A_41 = tpu.memref_slice %arg7[%dma_start3A_40] : memref<1408xi32, #tpu.memory_space<vmem>> -> memref<64xi32, #tpu.memory_space<vmem>>
    %dma_start3A_42 = tpu.memref_slice %arg4[%multiple_of3A_39] : memref<28672xi32, #tpu.memory_space<hbm>> -> memref<64xi32, #tpu.memory_space<hbm>>
    %dma_start3A_43 = arith.constant 192 : i32
    %dma_start3A_44 = tpu.memref_slice %arg7[%dma_start3A_43] : memref<1408xi32, #tpu.memory_space<vmem>> -> memref<64xi32, #tpu.memory_space<vmem>>
    %dma_start3A_45 = tpu.memref_slice %arg4[%multiple_of3A_39] : memref<28672xi32, #tpu.memory_space<hbm>> -> memref<64xi32, #tpu.memory_space<hbm>>
    tpu.enqueue_dma source(%dma_start3A_45 : memref<64xi32, #tpu.memory_space<hbm>>) target(%dma_start3A_44 : memref<64xi32, #tpu.memory_space<vmem>>) target_semaphore(%arg14 : memref<!tpu.dma_semaphore, #tpu.memory_space<semaphore_mem>>)
    %mul3A_46 = arith.constant 64 : i32
    %mul3A_47 = arith.muli %add3A, %mul3A_46 : i32
    %add3A_48 = arith.constant 8192 : i32
    %add3A_49 = arith.addi %add3A_48, %mul3A_47 : i32
    %multiple_of3A_50 = tpu.assume_multiple %add3A_49, 64 : i32
    %dma_start3A_51 = arith.constant 256 : i32
    %dma_start3A_52 = tpu.memref_slice %arg7[%dma_start3A_51] : memref<1408xi32, #tpu.memory_space<vmem>> -> memref<64xi32, #tpu.memory_space<vmem>>
    %dma_start3A_53 = tpu.memref_slice %arg4[%multiple_of3A_50] : memref<28672xi32, #tpu.memory_space<hbm>> -> memref<64xi32, #tpu.memory_space<hbm>>
    %dma_start3A_54 = arith.constant 256 : i32
    %dma_start3A_55 = tpu.memref_slice %arg7[%dma_start3A_54] : memref<1408xi32, #tpu.memory_space<vmem>> -> memref<64xi32, #tpu.memory_space<vmem>>
    %dma_start3A_56 = tpu.memref_slice %arg4[%multiple_of3A_50] : memref<28672xi32, #tpu.memory_space<hbm>> -> memref<64xi32, #tpu.memory_space<hbm>>
    tpu.enqueue_dma source(%dma_start3A_56 : memref<64xi32, #tpu.memory_space<hbm>>) target(%dma_start3A_55 : memref<64xi32, #tpu.memory_space<vmem>>) target_semaphore(%arg14 : memref<!tpu.dma_semaphore, #tpu.memory_space<semaphore_mem>>)
    %mul3A_57 = arith.constant 64 : i32
    %mul3A_58 = arith.muli %add3A, %mul3A_57 : i32
    %add3A_59 = arith.constant 10240 : i32
    %add3A_60 = arith.addi %add3A_59, %mul3A_58 : i32
    %multiple_of3A_61 = tpu.assume_multiple %add3A_60, 64 : i32
    %dma_start3A_62 = arith.constant 320 : i32
    %dma_start3A_63 = tpu.memref_slice %arg7[%dma_start3A_62] : memref<1408xi32, #tpu.memory_space<vmem>> -> memref<64xi32, #tpu.memory_space<vmem>>
    %dma_start3A_64 = tpu.memref_slice %arg4[%multiple_of3A_61] : memref<28672xi32, #tpu.memory_space<hbm>> -> memref<64xi32, #tpu.memory_space<hbm>>
    %dma_start3A_65 = arith.constant 320 : i32
    %dma_start3A_66 = tpu.memref_slice %arg7[%dma_start3A_65] : memref<1408xi32, #tpu.memory_space<vmem>> -> memref<64xi32, #tpu.memory_space<vmem>>
    %dma_start3A_67 = tpu.memref_slice %arg4[%multiple_of3A_61] : memref<28672xi32, #tpu.memory_space<hbm>> -> memref<64xi32, #tpu.memory_space<hbm>>
    tpu.enqueue_dma source(%dma_start3A_67 : memref<64xi32, #tpu.memory_space<hbm>>) target(%dma_start3A_66 : memref<64xi32, #tpu.memory_space<vmem>>) target_semaphore(%arg14 : memref<!tpu.dma_semaphore, #tpu.memory_space<semaphore_mem>>)
    %mul3A_68 = arith.constant 64 : i32
    %mul3A_69 = arith.muli %add3A, %mul3A_68 : i32
    %add3A_70 = arith.constant 12288 : i32
    %add3A_71 = arith.addi %add3A_70, %mul3A_69 : i32
    %multiple_of3A_72 = tpu.assume_multiple %add3A_71, 64 : i32
    %dma_start3A_73 = arith.constant 384 : i32
    %dma_start3A_74 = tpu.memref_slice %arg7[%dma_start3A_73] : memref<1408xi32, #tpu.memory_space<vmem>> -> memref<64xi32, #tpu.memory_space<vmem>>
    %dma_start3A_75 = tpu.memref_slice %arg4[%multiple_of3A_72] : memref<28672xi32, #tpu.memory_space<hbm>> -> memref<64xi32, #tpu.memory_space<hbm>>
    %dma_start3A_76 = arith.constant 384 : i32
    %dma_start3A_77 = tpu.memref_slice %arg7[%dma_start3A_76] : memref<1408xi32, #tpu.memory_space<vmem>> -> memref<64xi32, #tpu.memory_space<vmem>>
    %dma_start3A_78 = tpu.memref_slice %arg4[%multiple_of3A_72] : memref<28672xi32, #tpu.memory_space<hbm>> -> memref<64xi32, #tpu.memory_space<hbm>>
    tpu.enqueue_dma source(%dma_start3A_78 : memref<64xi32, #tpu.memory_space<hbm>>) target(%dma_start3A_77 : memref<64xi32, #tpu.memory_space<vmem>>) target_semaphore(%arg14 : memref<!tpu.dma_semaphore, #tpu.memory_space<semaphore_mem>>)
    %mul3A_79 = arith.constant 64 : i32
    %mul3A_80 = arith.muli %add3A, %mul3A_79 : i32
    %add3A_81 = arith.constant 14336 : i32
    %add3A_82 = arith.addi %add3A_81, %mul3A_80 : i32
    %multiple_of3A_83 = tpu.assume_multiple %add3A_82, 64 : i32
    %dma_start3A_84 = arith.constant 448 : i32
    %dma_start3A_85 = tpu.memref_slice %arg7[%dma_start3A_84] : memref<1408xi32, #tpu.memory_space<vmem>> -> memref<64xi32, #tpu.memory_space<vmem>>
    %dma_start3A_86 = tpu.memref_slice %arg4[%multiple_of3A_83] : memref<28672xi32, #tpu.memory_space<hbm>> -> memref<64xi32, #tpu.memory_space<hbm>>
    %dma_start3A_87 = arith.constant 448 : i32
    %dma_start3A_88 = tpu.memref_slice %arg7[%dma_start3A_87] : memref<1408xi32, #tpu.memory_space<vmem>> -> memref<64xi32, #tpu.memory_space<vmem>>
    %dma_start3A_89 = tpu.memref_slice %arg4[%multiple_of3A_83] : memref<28672xi32, #tpu.memory_space<hbm>> -> memref<64xi32, #tpu.memory_space<hbm>>
    tpu.enqueue_dma source(%dma_start3A_89 : memref<64xi32, #tpu.memory_space<hbm>>) target(%dma_start3A_88 : memref<64xi32, #tpu.memory_space<vmem>>) target_semaphore(%arg14 : memref<!tpu.dma_semaphore, #tpu.memory_space<semaphore_mem>>)
    %mul3A_90 = arith.constant 64 : i32
    %mul3A_91 = arith.muli %add3A, %mul3A_90 : i32
    %add3A_92 = arith.constant 16384 : i32
    %add3A_93 = arith.addi %add3A_92, %mul3A_91 : i32
    %multiple_of3A_94 = tpu.assume_multiple %add3A_93, 64 : i32
    %dma_start3A_95 = arith.constant 512 : i32
    %dma_start3A_96 = tpu.memref_slice %arg7[%dma_start3A_95] : memref<1408xi32, #tpu.memory_space<vmem>> -> memref<64xi32, #tpu.memory_space<vmem>>
    %dma_start3A_97 = tpu.memref_slice %arg4[%multiple_of3A_94] : memref<28672xi32, #tpu.memory_space<hbm>> -> memref<64xi32, #tpu.memory_space<hbm>>
    %dma_start3A_98 = arith.constant 512 : i32
    %dma_start3A_99 = tpu.memref_slice %arg7[%dma_start3A_98] : memref<1408xi32, #tpu.memory_space<vmem>> -> memref<64xi32, #tpu.memory_space<vmem>>
    %dma_start3A_100 = tpu.memref_slice %arg4[%multiple_of3A_94] : memref<28672xi32, #tpu.memory_space<hbm>> -> memref<64xi32, #tpu.memory_space<hbm>>
    tpu.enqueue_dma source(%dma_start3A_100 : memref<64xi32, #tpu.memory_space<hbm>>) target(%dma_start3A_99 : memref<64xi32, #tpu.memory_space<vmem>>) target_semaphore(%arg14 : memref<!tpu.dma_semaphore, #tpu.memory_space<semaphore_mem>>)
    %mul3A_101 = arith.constant 64 : i32
    %mul3A_102 = arith.muli %add3A, %mul3A_101 : i32
    %add3A_103 = arith.constant 18432 : i32
    %add3A_104 = arith.addi %add3A_103, %mul3A_102 : i32
    %multiple_of3A_105 = tpu.assume_multiple %add3A_104, 64 : i32
    %dma_start3A_106 = arith.constant 576 : i32
    %dma_start3A_107 = tpu.memref_slice %arg7[%dma_start3A_106] : memref<1408xi32, #tpu.memory_space<vmem>> -> memref<64xi32, #tpu.memory_space<vmem>>
    %dma_start3A_108 = tpu.memref_slice %arg4[%multiple_of3A_105] : memref<28672xi32, #tpu.memory_space<hbm>> -> memref<64xi32, #tpu.memory_space<hbm>>
    %dma_start3A_109 = arith.constant 576 : i32
    %dma_start3A_110 = tpu.memref_slice %arg7[%dma_start3A_109] : memref<1408xi32, #tpu.memory_space<vmem>> -> memref<64xi32, #tpu.memory_space<vmem>>
    %dma_start3A_111 = tpu.memref_slice %arg4[%multiple_of3A_105] : memref<28672xi32, #tpu.memory_space<hbm>> -> memref<64xi32, #tpu.memory_space<hbm>>
    tpu.enqueue_dma source(%dma_start3A_111 : memref<64xi32, #tpu.memory_space<hbm>>) target(%dma_start3A_110 : memref<64xi32, #tpu.memory_space<vmem>>) target_semaphore(%arg14 : memref<!tpu.dma_semaphore, #tpu.memory_space<semaphore_mem>>)
    %mul3A_112 = arith.constant 64 : i32
    %mul3A_113 = arith.muli %add3A, %mul3A_112 : i32
    %add3A_114 = arith.constant 20480 : i32
    %add3A_115 = arith.addi %add3A_114, %mul3A_113 : i32
    %multiple_of3A_116 = tpu.assume_multiple %add3A_115, 64 : i32
    %dma_start3A_117 = arith.constant 640 : i32
    %dma_start3A_118 = tpu.memref_slice %arg7[%dma_start3A_117] : memref<1408xi32, #tpu.memory_space<vmem>> -> memref<64xi32, #tpu.memory_space<vmem>>
    %dma_start3A_119 = tpu.memref_slice %arg4[%multiple_of3A_116] : memref<28672xi32, #tpu.memory_space<hbm>> -> memref<64xi32, #tpu.memory_space<hbm>>
    %dma_start3A_120 = arith.constant 640 : i32
    %dma_start3A_121 = tpu.memref_slice %arg7[%dma_start3A_120] : memref<1408xi32, #tpu.memory_space<vmem>> -> memref<64xi32, #tpu.memory_space<vmem>>
    %dma_start3A_122 = tpu.memref_slice %arg4[%multiple_of3A_116] : memref<28672xi32, #tpu.memory_space<hbm>> -> memref<64xi32, #tpu.memory_space<hbm>>
    tpu.enqueue_dma source(%dma_start3A_122 : memref<64xi32, #tpu.memory_space<hbm>>) target(%dma_start3A_121 : memref<64xi32, #tpu.memory_space<vmem>>) target_semaphore(%arg14 : memref<!tpu.dma_semaphore, #tpu.memory_space<semaphore_mem>>)
    %mul3A_123 = arith.constant 64 : i32
    %mul3A_124 = arith.muli %add3A, %mul3A_123 : i32
    %add3A_125 = arith.constant 22528 : i32
    %add3A_126 = arith.addi %add3A_125, %mul3A_124 : i32
    %multiple_of3A_127 = tpu.assume_multiple %add3A_126, 64 : i32
    %dma_start3A_128 = arith.constant 704 : i32
    %dma_start3A_129 = tpu.memref_slice %arg7[%dma_start3A_128] : memref<1408xi32, #tpu.memory_space<vmem>> -> memref<64xi32, #tpu.memory_space<vmem>>
    %dma_start3A_130 = tpu.memref_slice %arg4[%multiple_of3A_127] : memref<28672xi32, #tpu.memory_space<hbm>> -> memref<64xi32, #tpu.memory_space<hbm>>
    %dma_start3A_131 = arith.constant 704 : i32
    %dma_start3A_132 = tpu.memref_slice %arg7[%dma_start3A_131] : memref<1408xi32, #tpu.memory_space<vmem>> -> memref<64xi32, #tpu.memory_space<vmem>>
    %dma_start3A_133 = tpu.memref_slice %arg4[%multiple_of3A_127] : memref<28672xi32, #tpu.memory_space<hbm>> -> memref<64xi32, #tpu.memory_space<hbm>>
    tpu.enqueue_dma source(%dma_start3A_133 : memref<64xi32, #tpu.memory_space<hbm>>) target(%dma_start3A_132 : memref<64xi32, #tpu.memory_space<vmem>>) target_semaphore(%arg14 : memref<!tpu.dma_semaphore, #tpu.memory_space<semaphore_mem>>)
    %mul3A_134 = arith.constant 64 : i32
    %mul3A_135 = arith.muli %add3A, %mul3A_134 : i32
    %add3A_136 = arith.constant 24576 : i32
    %add3A_137 = arith.addi %add3A_136, %mul3A_135 : i32
    %multiple_of3A_138 = tpu.assume_multiple %add3A_137, 64 : i32
    %dma_start3A_139 = arith.constant 768 : i32
    %dma_start3A_140 = tpu.memref_slice %arg7[%dma_start3A_139] : memref<1408xi32, #tpu.memory_space<vmem>> -> memref<64xi32, #tpu.memory_space<vmem>>
    %dma_start3A_141 = tpu.memref_slice %arg4[%multiple_of3A_138] : memref<28672xi32, #tpu.memory_space<hbm>> -> memref<64xi32, #tpu.memory_space<hbm>>
    %dma_start3A_142 = arith.constant 768 : i32
    %dma_start3A_143 = tpu.memref_slice %arg7[%dma_start3A_142] : memref<1408xi32, #tpu.memory_space<vmem>> -> memref<64xi32, #tpu.memory_space<vmem>>
    %dma_start3A_144 = tpu.memref_slice %arg4[%multiple_of3A_138] : memref<28672xi32, #tpu.memory_space<hbm>> -> memref<64xi32, #tpu.memory_space<hbm>>
    tpu.enqueue_dma source(%dma_start3A_144 : memref<64xi32, #tpu.memory_space<hbm>>) target(%dma_start3A_143 : memref<64xi32, #tpu.memory_space<vmem>>) target_semaphore(%arg14 : memref<!tpu.dma_semaphore, #tpu.memory_space<semaphore_mem>>)
    %mul3A_145 = arith.constant 64 : i32
    %mul3A_146 = arith.muli %add3A, %mul3A_145 : i32
    %add3A_147 = arith.constant 26624 : i32
    %add3A_148 = arith.addi %add3A_147, %mul3A_146 : i32
    %multiple_of3A_149 = tpu.assume_multiple %add3A_148, 64 : i32
    %dma_start3A_150 = arith.constant 832 : i32
    %dma_start3A_151 = tpu.memref_slice %arg7[%dma_start3A_150] : memref<1408xi32, #tpu.memory_space<vmem>> -> memref<64xi32, #tpu.memory_space<vmem>>
    %dma_start3A_152 = tpu.memref_slice %arg4[%multiple_of3A_149] : memref<28672xi32, #tpu.memory_space<hbm>> -> memref<64xi32, #tpu.memory_space<hbm>>
    %dma_start3A_153 = arith.constant 832 : i32
    %dma_start3A_154 = tpu.memref_slice %arg7[%dma_start3A_153] : memref<1408xi32, #tpu.memory_space<vmem>> -> memref<64xi32, #tpu.memory_space<vmem>>
    %dma_start3A_155 = tpu.memref_slice %arg4[%multiple_of3A_149] : memref<28672xi32, #tpu.memory_space<hbm>> -> memref<64xi32, #tpu.memory_space<hbm>>
    tpu.enqueue_dma source(%dma_start3A_155 : memref<64xi32, #tpu.memory_space<hbm>>) target(%dma_start3A_154 : memref<64xi32, #tpu.memory_space<vmem>>) target_semaphore(%arg14 : memref<!tpu.dma_semaphore, #tpu.memory_space<semaphore_mem>>)
    %mul3A_156 = arith.constant 64 : i32
    %mul3A_157 = arith.muli %add3A, %mul3A_156 : i32
    %mul3A_158 = arith.constant 8 : i32
    %mul3A_159 = arith.muli %mul3A_157, %mul3A_158 : i32
    %multiple_of3A_160 = tpu.assume_multiple %mul3A_159, 8 : i32
    %dma_start3A_161 = arith.constant 896 : i32
    %dma_start3A_162 = tpu.memref_slice %arg7[%dma_start3A_161] : memref<1408xi32, #tpu.memory_space<vmem>> -> memref<512xi32, #tpu.memory_space<vmem>>
    %dma_start3A_163 = tpu.memref_slice %arg3[%multiple_of3A_160] : memref<16384xi32, #tpu.memory_space<hbm>> -> memref<512xi32, #tpu.memory_space<hbm>>
    %dma_start3A_164 = arith.constant 896 : i32
    %dma_start3A_165 = tpu.memref_slice %arg7[%dma_start3A_164] : memref<1408xi32, #tpu.memory_space<vmem>> -> memref<512xi32, #tpu.memory_space<vmem>>
    %dma_start3A_166 = tpu.memref_slice %arg3[%multiple_of3A_160] : memref<16384xi32, #tpu.memory_space<hbm>> -> memref<512xi32, #tpu.memory_space<hbm>>
    tpu.enqueue_dma source(%dma_start3A_166 : memref<512xi32, #tpu.memory_space<hbm>>) target(%dma_start3A_165 : memref<512xi32, #tpu.memory_space<vmem>>) target_semaphore(%arg14 : memref<!tpu.dma_semaphore, #tpu.memory_space<semaphore_mem>>)
    %dma_wait3A = arith.constant 0 : i32
    %dma_wait3A_167 = tpu.memref_slice %arg7[%dma_wait3A] : memref<1408xi32, #tpu.memory_space<vmem>> -> memref<64xi32, #tpu.memory_space<vmem>>
    %dma_wait3A_168 = arith.constant 0 : i32
    %dma_wait3A_169 = tpu.memref_slice %arg4[%dma_wait3A_168] : memref<28672xi32, #tpu.memory_space<hbm>> -> memref<64xi32, #tpu.memory_space<hbm>>
    %dma_wait3A_170 = arith.constant 0 : i32
    %dma_wait3A_171 = tpu.memref_slice %arg7[%dma_wait3A_170] : memref<1408xi32, #tpu.memory_space<vmem>> -> memref<64xi32, #tpu.memory_space<vmem>>
    %dma_wait3A_172 = arith.constant 0 : i32
    %dma_wait3A_173 = tpu.memref_slice %arg4[%dma_wait3A_172] : memref<28672xi32, #tpu.memory_space<hbm>> -> memref<64xi32, #tpu.memory_space<hbm>>
    tpu.wait_dma2 semaphore(%arg14 : memref<!tpu.dma_semaphore, #tpu.memory_space<semaphore_mem>>) src(%dma_wait3A_173 : memref<64xi32, #tpu.memory_space<hbm>>) dst(%dma_wait3A_171 : memref<64xi32, #tpu.memory_space<vmem>>)
    %dma_wait3A_174 = arith.constant 0 : i32
    %dma_wait3A_175 = tpu.memref_slice %arg7[%dma_wait3A_174] : memref<1408xi32, #tpu.memory_space<vmem>> -> memref<64xi32, #tpu.memory_space<vmem>>
    %dma_wait3A_176 = arith.constant 0 : i32
    %dma_wait3A_177 = tpu.memref_slice %arg4[%dma_wait3A_176] : memref<28672xi32, #tpu.memory_space<hbm>> -> memref<64xi32, #tpu.memory_space<hbm>>
    %dma_wait3A_178 = arith.constant 0 : i32
    %dma_wait3A_179 = tpu.memref_slice %arg7[%dma_wait3A_178] : memref<1408xi32, #tpu.memory_space<vmem>> -> memref<64xi32, #tpu.memory_space<vmem>>
    %dma_wait3A_180 = arith.constant 0 : i32
    %dma_wait3A_181 = tpu.memref_slice %arg4[%dma_wait3A_180] : memref<28672xi32, #tpu.memory_space<hbm>> -> memref<64xi32, #tpu.memory_space<hbm>>
    tpu.wait_dma2 semaphore(%arg14 : memref<!tpu.dma_semaphore, #tpu.memory_space<semaphore_mem>>) src(%dma_wait3A_181 : memref<64xi32, #tpu.memory_space<hbm>>) dst(%dma_wait3A_179 : memref<64xi32, #tpu.memory_space<vmem>>)
    %dma_wait3A_182 = arith.constant 0 : i32
    %dma_wait3A_183 = tpu.memref_slice %arg7[%dma_wait3A_182] : memref<1408xi32, #tpu.memory_space<vmem>> -> memref<64xi32, #tpu.memory_space<vmem>>
    %dma_wait3A_184 = arith.constant 0 : i32
    %dma_wait3A_185 = tpu.memref_slice %arg4[%dma_wait3A_184] : memref<28672xi32, #tpu.memory_space<hbm>> -> memref<64xi32, #tpu.memory_space<hbm>>
    %dma_wait3A_186 = arith.constant 0 : i32
    %dma_wait3A_187 = tpu.memref_slice %arg7[%dma_wait3A_186] : memref<1408xi32, #tpu.memory_space<vmem>> -> memref<64xi32, #tpu.memory_space<vmem>>
    %dma_wait3A_188 = arith.constant 0 : i32
    %dma_wait3A_189 = tpu.memref_slice %arg4[%dma_wait3A_188] : memref<28672xi32, #tpu.memory_space<hbm>> -> memref<64xi32, #tpu.memory_space<hbm>>
    tpu.wait_dma2 semaphore(%arg14 : memref<!tpu.dma_semaphore, #tpu.memory_space<semaphore_mem>>) src(%dma_wait3A_189 : memref<64xi32, #tpu.memory_space<hbm>>) dst(%dma_wait3A_187 : memref<64xi32, #tpu.memory_space<vmem>>)
    %dma_wait3A_190 = arith.constant 0 : i32
    %dma_wait3A_191 = tpu.memref_slice %arg7[%dma_wait3A_190] : memref<1408xi32, #tpu.memory_space<vmem>> -> memref<64xi32, #tpu.memory_space<vmem>>
    %dma_wait3A_192 = arith.constant 0 : i32
    %dma_wait3A_193 = tpu.memref_slice %arg4[%dma_wait3A_192] : memref<28672xi32, #tpu.memory_space<hbm>> -> memref<64xi32, #tpu.memory_space<hbm>>
    %dma_wait3A_194 = arith.constant 0 : i32
    %dma_wait3A_195 = tpu.memref_slice %arg7[%dma_wait3A_194] : memref<1408xi32, #tpu.memory_space<vmem>> -> memref<64xi32, #tpu.memory_space<vmem>>
    %dma_wait3A_196 = arith.constant 0 : i32
    %dma_wait3A_197 = tpu.memref_slice %arg4[%dma_wait3A_196] : memref<28672xi32, #tpu.memory_space<hbm>> -> memref<64xi32, #tpu.memory_space<hbm>>
    tpu.wait_dma2 semaphore(%arg14 : memref<!tpu.dma_semaphore, #tpu.memory_space<semaphore_mem>>) src(%dma_wait3A_197 : memref<64xi32, #tpu.memory_space<hbm>>) dst(%dma_wait3A_195 : memref<64xi32, #tpu.memory_space<vmem>>)
    %dma_wait3A_198 = arith.constant 0 : i32
    %dma_wait3A_199 = tpu.memref_slice %arg7[%dma_wait3A_198] : memref<1408xi32, #tpu.memory_space<vmem>> -> memref<64xi32, #tpu.memory_space<vmem>>
    %dma_wait3A_200 = arith.constant 0 : i32
    %dma_wait3A_201 = tpu.memref_slice %arg4[%dma_wait3A_200] : memref<28672xi32, #tpu.memory_space<hbm>> -> memref<64xi32, #tpu.memory_space<hbm>>
    %dma_wait3A_202 = arith.constant 0 : i32
    %dma_wait3A_203 = tpu.memref_slice %arg7[%dma_wait3A_202] : memref<1408xi32, #tpu.memory_space<vmem>> -> memref<64xi32, #tpu.memory_space<vmem>>
    %dma_wait3A_204 = arith.constant 0 : i32
    %dma_wait3A_205 = tpu.memref_slice %arg4[%dma_wait3A_204] : memref<28672xi32, #tpu.memory_space<hbm>> -> memref<64xi32, #tpu.memory_space<hbm>>
    tpu.wait_dma2 semaphore(%arg14 : memref<!tpu.dma_semaphore, #tpu.memory_space<semaphore_mem>>) src(%dma_wait3A_205 : memref<64xi32, #tpu.memory_space<hbm>>) dst(%dma_wait3A_203 : memref<64xi32, #tpu.memory_space<vmem>>)
    %dma_wait3A_206 = arith.constant 0 : i32
    %dma_wait3A_207 = tpu.memref_slice %arg7[%dma_wait3A_206] : memref<1408xi32, #tpu.memory_space<vmem>> -> memref<64xi32, #tpu.memory_space<vmem>>
    %dma_wait3A_208 = arith.constant 0 : i32
    %dma_wait3A_209 = tpu.memref_slice %arg4[%dma_wait3A_208] : memref<28672xi32, #tpu.memory_space<hbm>> -> memref<64xi32, #tpu.memory_space<hbm>>
    %dma_wait3A_210 = arith.constant 0 : i32
    %dma_wait3A_211 = tpu.memref_slice %arg7[%dma_wait3A_210] : memref<1408xi32, #tpu.memory_space<vmem>> -> memref<64xi32, #tpu.memory_space<vmem>>
    %dma_wait3A_212 = arith.constant 0 : i32
    %dma_wait3A_213 = tpu.memref_slice %arg4[%dma_wait3A_212] : memref<28672xi32, #tpu.memory_space<hbm>> -> memref<64xi32, #tpu.memory_space<hbm>>
    tpu.wait_dma2 semaphore(%arg14 : memref<!tpu.dma_semaphore, #tpu.memory_space<semaphore_mem>>) src(%dma_wait3A_213 : memref<64xi32, #tpu.memory_space<hbm>>) dst(%dma_wait3A_211 : memref<64xi32, #tpu.memory_space<vmem>>)
    %dma_wait3A_214 = arith.constant 0 : i32
    %dma_wait3A_215 = tpu.memref_slice %arg7[%dma_wait3A_214] : memref<1408xi32, #tpu.memory_space<vmem>> -> memref<64xi32, #tpu.memory_space<vmem>>
    %dma_wait3A_216 = arith.constant 0 : i32
    %dma_wait3A_217 = tpu.memref_slice %arg4[%dma_wait3A_216] : memref<28672xi32, #tpu.memory_space<hbm>> -> memref<64xi32, #tpu.memory_space<hbm>>
    %dma_wait3A_218 = arith.constant 0 : i32
    %dma_wait3A_219 = tpu.memref_slice %arg7[%dma_wait3A_218] : memref<1408xi32, #tpu.memory_space<vmem>> -> memref<64xi32, #tpu.memory_space<vmem>>
    %dma_wait3A_220 = arith.constant 0 : i32
    %dma_wait3A_221 = tpu.memref_slice %arg4[%dma_wait3A_220] : memref<28672xi32, #tpu.memory_space<hbm>> -> memref<64xi32, #tpu.memory_space<hbm>>
    tpu.wait_dma2 semaphore(%arg14 : memref<!tpu.dma_semaphore, #tpu.memory_space<semaphore_mem>>) src(%dma_wait3A_221 : memref<64xi32, #tpu.memory_space<hbm>>) dst(%dma_wait3A_219 : memref<64xi32, #tpu.memory_space<vmem>>)
    %dma_wait3A_222 = arith.constant 0 : i32
    %dma_wait3A_223 = tpu.memref_slice %arg7[%dma_wait3A_222] : memref<1408xi32, #tpu.memory_space<vmem>> -> memref<64xi32, #tpu.memory_space<vmem>>
    %dma_wait3A_224 = arith.constant 0 : i32
    %dma_wait3A_225 = tpu.memref_slice %arg4[%dma_wait3A_224] : memref<28672xi32, #tpu.memory_space<hbm>> -> memref<64xi32, #tpu.memory_space<hbm>>
    %dma_wait3A_226 = arith.constant 0 : i32
    %dma_wait3A_227 = tpu.memref_slice %arg7[%dma_wait3A_226] : memref<1408xi32, #tpu.memory_space<vmem>> -> memref<64xi32, #tpu.memory_space<vmem>>
    %dma_wait3A_228 = arith.constant 0 : i32
    %dma_wait3A_229 = tpu.memref_slice %arg4[%dma_wait3A_228] : memref<28672xi32, #tpu.memory_space<hbm>> -> memref<64xi32, #tpu.memory_space<hbm>>
    tpu.wait_dma2 semaphore(%arg14 : memref<!tpu.dma_semaphore, #tpu.memory_space<semaphore_mem>>) src(%dma_wait3A_229 : memref<64xi32, #tpu.memory_space<hbm>>) dst(%dma_wait3A_227 : memref<64xi32, #tpu.memory_space<vmem>>)
    %dma_wait3A_230 = arith.constant 0 : i32
    %dma_wait3A_231 = tpu.memref_slice %arg7[%dma_wait3A_230] : memref<1408xi32, #tpu.memory_space<vmem>> -> memref<64xi32, #tpu.memory_space<vmem>>
    %dma_wait3A_232 = arith.constant 0 : i32
    %dma_wait3A_233 = tpu.memref_slice %arg4[%dma_wait3A_232] : memref<28672xi32, #tpu.memory_space<hbm>> -> memref<64xi32, #tpu.memory_space<hbm>>
    %dma_wait3A_234 = arith.constant 0 : i32
    %dma_wait3A_235 = tpu.memref_slice %arg7[%dma_wait3A_234] : memref<1408xi32, #tpu.memory_space<vmem>> -> memref<64xi32, #tpu.memory_space<vmem>>
    %dma_wait3A_236 = arith.constant 0 : i32
    %dma_wait3A_237 = tpu.memref_slice %arg4[%dma_wait3A_236] : memref<28672xi32, #tpu.memory_space<hbm>> -> memref<64xi32, #tpu.memory_space<hbm>>
    tpu.wait_dma2 semaphore(%arg14 : memref<!tpu.dma_semaphore, #tpu.memory_space<semaphore_mem>>) src(%dma_wait3A_237 : memref<64xi32, #tpu.memory_space<hbm>>) dst(%dma_wait3A_235 : memref<64xi32, #tpu.memory_space<vmem>>)
    %dma_wait3A_238 = arith.constant 0 : i32
    %dma_wait3A_239 = tpu.memref_slice %arg7[%dma_wait3A_238] : memref<1408xi32, #tpu.memory_space<vmem>> -> memref<64xi32, #tpu.memory_space<vmem>>
    %dma_wait3A_240 = arith.constant 0 : i32
    %dma_wait3A_241 = tpu.memref_slice %arg4[%dma_wait3A_240] : memref<28672xi32, #tpu.memory_space<hbm>> -> memref<64xi32, #tpu.memory_space<hbm>>
    %dma_wait3A_242 = arith.constant 0 : i32
    %dma_wait3A_243 = tpu.memref_slice %arg7[%dma_wait3A_242] : memref<1408xi32, #tpu.memory_space<vmem>> -> memref<64xi32, #tpu.memory_space<vmem>>
    %dma_wait3A_244 = arith.constant 0 : i32
    %dma_wait3A_245 = tpu.memref_slice %arg4[%dma_wait3A_244] : memref<28672xi32, #tpu.memory_space<hbm>> -> memref<64xi32, #tpu.memory_space<hbm>>
    tpu.wait_dma2 semaphore(%arg14 : memref<!tpu.dma_semaphore, #tpu.memory_space<semaphore_mem>>) src(%dma_wait3A_245 : memref<64xi32, #tpu.memory_space<hbm>>) dst(%dma_wait3A_243 : memref<64xi32, #tpu.memory_space<vmem>>)
    %dma_wait3A_246 = arith.constant 0 : i32
    %dma_wait3A_247 = tpu.memref_slice %arg7[%dma_wait3A_246] : memref<1408xi32, #tpu.memory_space<vmem>> -> memref<64xi32, #tpu.memory_space<vmem>>
    %dma_wait3A_248 = arith.constant 0 : i32
    %dma_wait3A_249 = tpu.memref_slice %arg4[%dma_wait3A_248] : memref<28672xi32, #tpu.memory_space<hbm>> -> memref<64xi32, #tpu.memory_space<hbm>>
    %dma_wait3A_250 = arith.constant 0 : i32
    %dma_wait3A_251 = tpu.memref_slice %arg7[%dma_wait3A_250] : memref<1408xi32, #tpu.memory_space<vmem>> -> memref<64xi32, #tpu.memory_space<vmem>>
    %dma_wait3A_252 = arith.constant 0 : i32
    %dma_wait3A_253 = tpu.memref_slice %arg4[%dma_wait3A_252] : memref<28672xi32, #tpu.memory_space<hbm>> -> memref<64xi32, #tpu.memory_space<hbm>>
    tpu.wait_dma2 semaphore(%arg14 : memref<!tpu.dma_semaphore, #tpu.memory_space<semaphore_mem>>) src(%dma_wait3A_253 : memref<64xi32, #tpu.memory_space<hbm>>) dst(%dma_wait3A_251 : memref<64xi32, #tpu.memory_space<vmem>>)
    %dma_wait3A_254 = arith.constant 0 : i32
    %dma_wait3A_255 = tpu.memref_slice %arg7[%dma_wait3A_254] : memref<1408xi32, #tpu.memory_space<vmem>> -> memref<64xi32, #tpu.memory_space<vmem>>
    %dma_wait3A_256 = arith.constant 0 : i32
    %dma_wait3A_257 = tpu.memref_slice %arg4[%dma_wait3A_256] : memref<28672xi32, #tpu.memory_space<hbm>> -> memref<64xi32, #tpu.memory_space<hbm>>
    %dma_wait3A_258 = arith.constant 0 : i32
    %dma_wait3A_259 = tpu.memref_slice %arg7[%dma_wait3A_258] : memref<1408xi32, #tpu.memory_space<vmem>> -> memref<64xi32, #tpu.memory_space<vmem>>
    %dma_wait3A_260 = arith.constant 0 : i32
    %dma_wait3A_261 = tpu.memref_slice %arg4[%dma_wait3A_260] : memref<28672xi32, #tpu.memory_space<hbm>> -> memref<64xi32, #tpu.memory_space<hbm>>
    tpu.wait_dma2 semaphore(%arg14 : memref<!tpu.dma_semaphore, #tpu.memory_space<semaphore_mem>>) src(%dma_wait3A_261 : memref<64xi32, #tpu.memory_space<hbm>>) dst(%dma_wait3A_259 : memref<64xi32, #tpu.memory_space<vmem>>)
    %dma_wait3A_262 = arith.constant 0 : i32
    %dma_wait3A_263 = tpu.memref_slice %arg7[%dma_wait3A_262] : memref<1408xi32, #tpu.memory_space<vmem>> -> memref<64xi32, #tpu.memory_space<vmem>>
    %dma_wait3A_264 = arith.constant 0 : i32
    %dma_wait3A_265 = tpu.memref_slice %arg4[%dma_wait3A_264] : memref<28672xi32, #tpu.memory_space<hbm>> -> memref<64xi32, #tpu.memory_space<hbm>>
    %dma_wait3A_266 = arith.constant 0 : i32
    %dma_wait3A_267 = tpu.memref_slice %arg7[%dma_wait3A_266] : memref<1408xi32, #tpu.memory_space<vmem>> -> memref<64xi32, #tpu.memory_space<vmem>>
    %dma_wait3A_268 = arith.constant 0 : i32
    %dma_wait3A_269 = tpu.memref_slice %arg4[%dma_wait3A_268] : memref<28672xi32, #tpu.memory_space<hbm>> -> memref<64xi32, #tpu.memory_space<hbm>>
    tpu.wait_dma2 semaphore(%arg14 : memref<!tpu.dma_semaphore, #tpu.memory_space<semaphore_mem>>) src(%dma_wait3A_269 : memref<64xi32, #tpu.memory_space<hbm>>) dst(%dma_wait3A_267 : memref<64xi32, #tpu.memory_space<vmem>>)
    %dma_wait3A_270 = arith.constant 0 : i32
    %dma_wait3A_271 = tpu.memref_slice %arg7[%dma_wait3A_270] : memref<1408xi32, #tpu.memory_space<vmem>> -> memref<64xi32, #tpu.memory_space<vmem>>
    %dma_wait3A_272 = arith.constant 0 : i32
    %dma_wait3A_273 = tpu.memref_slice %arg4[%dma_wait3A_272] : memref<28672xi32, #tpu.memory_space<hbm>> -> memref<64xi32, #tpu.memory_space<hbm>>
    %dma_wait3A_274 = arith.constant 0 : i32
    %dma_wait3A_275 = tpu.memref_slice %arg7[%dma_wait3A_274] : memref<1408xi32, #tpu.memory_space<vmem>> -> memref<64xi32, #tpu.memory_space<vmem>>
    %dma_wait3A_276 = arith.constant 0 : i32
    %dma_wait3A_277 = tpu.memref_slice %arg4[%dma_wait3A_276] : memref<28672xi32, #tpu.memory_space<hbm>> -> memref<64xi32, #tpu.memory_space<hbm>>
    tpu.wait_dma2 semaphore(%arg14 : memref<!tpu.dma_semaphore, #tpu.memory_space<semaphore_mem>>) src(%dma_wait3A_277 : memref<64xi32, #tpu.memory_space<hbm>>) dst(%dma_wait3A_275 : memref<64xi32, #tpu.memory_space<vmem>>)
    %dma_wait3A_278 = arith.constant 0 : i32
    %dma_wait3A_279 = tpu.memref_slice %arg7[%dma_wait3A_278] : memref<1408xi32, #tpu.memory_space<vmem>> -> memref<512xi32, #tpu.memory_space<vmem>>
    %dma_wait3A_280 = arith.constant 0 : i32
    %dma_wait3A_281 = tpu.memref_slice %arg3[%dma_wait3A_280] : memref<16384xi32, #tpu.memory_space<hbm>> -> memref<512xi32, #tpu.memory_space<hbm>>
    %dma_wait3A_282 = arith.constant 0 : i32
    %dma_wait3A_283 = tpu.memref_slice %arg7[%dma_wait3A_282] : memref<1408xi32, #tpu.memory_space<vmem>> -> memref<512xi32, #tpu.memory_space<vmem>>
    %dma_wait3A_284 = arith.constant 0 : i32
    %dma_wait3A_285 = tpu.memref_slice %arg3[%dma_wait3A_284] : memref<16384xi32, #tpu.memory_space<hbm>> -> memref<512xi32, #tpu.memory_space<hbm>>
    tpu.wait_dma2 semaphore(%arg14 : memref<!tpu.dma_semaphore, #tpu.memory_space<semaphore_mem>>) src(%dma_wait3A_285 : memref<512xi32, #tpu.memory_space<hbm>>) dst(%dma_wait3A_283 : memref<512xi32, #tpu.memory_space<vmem>>)
    %multiple_of3A_286 = arith.constant 0 : i32
    %multiple_of3A_287 = tpu.assume_multiple %multiple_of3A_286, 32 : i32
    %dma_start3A_288 = tpu.memref_slice %arg7[%multiple_of3A_287] : memref<1408xi32, #tpu.memory_space<vmem>> -> memref<32xi32, #tpu.memory_space<vmem>>
    %dma_start3A_289 = arith.constant 0 : i32
    %dma_start3A_290 = arith.constant 0 : i32
    %dma_start3A_291 = tpu.memref_slice %arg2[%dma_start3A_289, %dma_start3A_290] : memref<2816x1024xf32, #tpu.memory_space<hbm>> -> memref<2816x1024xf32, #tpu.memory_space<hbm>>
    tpu.enqueue_indirect_dma source(%dma_start3A_291 : memref<2816x1024xf32, #tpu.memory_space<hbm>>) target(%arg12 : memref<32x1024xf32, #tpu.memory_space<vmem>>) offsets(%dma_start3A_288 : memref<32xi32, #tpu.memory_space<vmem>>) semaphore(%arg14 : memref<!tpu.dma_semaphore, #tpu.memory_space<semaphore_mem>>)
    %scan3A = arith.constant 0 : i32
    %scan3A_292 = arith.constant 0 : i32
    %scan3A_293 = arith.constant 14 : i32
    %scan3A_294 = arith.addi %scan3A_292, %scan3A_293 : i32
    %scan3A_295 = arith.constant 1 : i32
    scf.for %scan3A_361 = %scan3A_292 to %scan3A_294 step %scan3A_295  : i32 {
      %mul3A_362 = arith.constant 2 : i32
      %mul3A_363 = arith.muli %mul3A_362, %scan3A_361 : i32
      %gt3A = arith.constant 0 : i32
      %gt3A_364 = arith.cmpi sgt, %scan3A_361, %gt3A : i32
      %convert_element_type3A = arith.extui %gt3A_364 : i1 to i32
      %cond3A = arith.constant 0 : i32
      %cond3A_365 = arith.cmpi ne, %convert_element_type3A, %cond3A : i32
      scf.if %cond3A_365 {
        %dma_wait3A_485 = arith.constant 0 : i32
        %dma_wait3A_486 = arith.constant 0 : i32
        %dma_wait3A_487 = tpu.memref_slice %arg6[%dma_wait3A_485, %multiple_of3A, %dma_wait3A_486] : memref<14x2048x1024xf32, #tpu.memory_space<hbm>> -> memref<1x32x1024xf32, #tpu.memory_space<hbm>>
        %dma_wait3A_488 = tpu.memref_squeeze %dma_wait3A_487 : memref<1x32x1024xf32, #tpu.memory_space<hbm>> -> memref<32x1024xf32, #tpu.memory_space<hbm>>
        %dma_wait3A_489 = arith.constant 0 : i32
        %dma_wait3A_490 = tpu.memref_slice %arg6[%dma_wait3A_485, %multiple_of3A, %dma_wait3A_489] : memref<14x2048x1024xf32, #tpu.memory_space<hbm>> -> memref<1x32x1024xf32, #tpu.memory_space<hbm>>
        %dma_wait3A_491 = tpu.memref_squeeze %dma_wait3A_490 : memref<1x32x1024xf32, #tpu.memory_space<hbm>> -> memref<32x1024xf32, #tpu.memory_space<hbm>>
        tpu.wait_dma2 semaphore(%arg17 : memref<!tpu.dma_semaphore, #tpu.memory_space<semaphore_mem>>) src(%arg12 : memref<32x1024xf32, #tpu.memory_space<vmem>>) dst(%dma_wait3A_491 : memref<32x1024xf32, #tpu.memory_space<hbm>>)
      } else {
      }
      %add3A_366 = arith.constant 1 : i32
      %add3A_367 = arith.addi %mul3A_363, %add3A_366 : i32
      %jit3A = arith.constant 2 : i32
      %div3A = arith.divsi %add3A_367, %jit3A : i32
      %sign3A = arith.constant 0 : i32
      %sign3A_368 = arith.cmpi sgt, %add3A_367, %sign3A : i32
      %sign3A_369 = arith.extui %sign3A_368 : i1 to i32
      %sign3A_370 = arith.constant 0 : i32
      %sign3A_371 = arith.cmpi slt, %add3A_367, %sign3A_370 : i32
      %sign3A_372 = arith.extui %sign3A_371 : i1 to i32
      %sign3A_373 = arith.subi %sign3A_369, %sign3A_372 : i32
      %sign3A_374 = arith.constant 0 : i32
      %sign3A_375 = arith.cmpi sgt, %jit3A, %sign3A_374 : i32
      %sign3A_376 = arith.extui %sign3A_375 : i1 to i32
      %sign3A_377 = arith.constant 0 : i32
      %sign3A_378 = arith.cmpi slt, %jit3A, %sign3A_377 : i32
      %sign3A_379 = arith.extui %sign3A_378 : i1 to i32
      %sign3A_380 = arith.subi %sign3A_376, %sign3A_379 : i32
      %ne3A = arith.cmpi ne, %sign3A_373, %sign3A_380 : i32
      %rem3A = arith.remsi %add3A_367, %jit3A : i32
      %ne3A_381 = arith.constant 0 : i32
      %ne3A_382 = arith.cmpi ne, %rem3A, %ne3A_381 : i32
      %and3A = arith.andi %ne3A, %ne3A_382 : i1
      %sub3A = arith.constant 1 : i32
      %sub3A_383 = arith.subi %div3A, %sub3A : i32
      %select_n3A = arith.select %and3A, %sub3A_383, %div3A : i32
      %mul3A_384 = arith.constant 2 : i32
      %mul3A_385 = arith.muli %mul3A_384, %select_n3A : i32
      %sub3A_386 = arith.subi %add3A_367, %mul3A_385 : i32
      %mul3A_387 = arith.constant 64 : i32
      %mul3A_388 = arith.muli %select_n3A, %mul3A_387 : i32
      %mul3A_389 = arith.constant 32 : i32
      %mul3A_390 = arith.muli %mul3A_389, %sub3A_386 : i32
      %add3A_391 = arith.addi %mul3A_388, %mul3A_390 : i32
      %multiple_of3A_392 = tpu.assume_multiple %add3A_391, 32 : i32
      %dma_start3A_393 = tpu.memref_slice %arg7[%multiple_of3A_392] : memref<1408xi32, #tpu.memory_space<vmem>> -> memref<32xi32, #tpu.memory_space<vmem>>
      %dma_start3A_394 = arith.constant 0 : i32
      %dma_start3A_395 = arith.constant 0 : i32
      %dma_start3A_396 = tpu.memref_slice %arg2[%dma_start3A_394, %dma_start3A_395] : memref<2816x1024xf32, #tpu.memory_space<hbm>> -> memref<2816x1024xf32, #tpu.memory_space<hbm>>
      tpu.enqueue_indirect_dma source(%dma_start3A_396 : memref<2816x1024xf32, #tpu.memory_space<hbm>>) target(%arg13 : memref<32x1024xf32, #tpu.memory_space<vmem>>) offsets(%dma_start3A_393 : memref<32xi32, #tpu.memory_space<vmem>>) semaphore(%arg15 : memref<!tpu.dma_semaphore, #tpu.memory_space<semaphore_mem>>)
      %dma_wait3A_397 = arith.constant 0 : i32
      %dma_wait3A_398 = tpu.memref_slice %arg7[%dma_wait3A_397] : memref<1408xi32, #tpu.memory_space<vmem>> -> memref<32xi32, #tpu.memory_space<vmem>>
      %dma_wait3A_399 = arith.constant 0 : i32
      %dma_wait3A_400 = arith.constant 0 : i32
      %dma_wait3A_401 = tpu.memref_slice %arg2[%dma_wait3A_399, %dma_wait3A_400] : memref<2816x1024xf32, #tpu.memory_space<hbm>> -> memref<2816x1024xf32, #tpu.memory_space<hbm>>
      tpu.wait_indirect_dma semaphore(%arg14 : memref<!tpu.dma_semaphore, #tpu.memory_space<semaphore_mem>>) src(%dma_wait3A_401 : memref<2816x1024xf32, #tpu.memory_space<hbm>>) dst(%arg12 : memref<32x1024xf32, #tpu.memory_space<vmem>>)
      %jit3A_402 = arith.constant 2 : i32
      %div3A_403 = arith.divsi %mul3A_363, %jit3A_402 : i32
      %sign3A_404 = arith.constant 0 : i32
      %sign3A_405 = arith.cmpi sgt, %mul3A_363, %sign3A_404 : i32
      %sign3A_406 = arith.extui %sign3A_405 : i1 to i32
      %sign3A_407 = arith.constant 0 : i32
      %sign3A_408 = arith.cmpi slt, %mul3A_363, %sign3A_407 : i32
      %sign3A_409 = arith.extui %sign3A_408 : i1 to i32
      %sign3A_410 = arith.subi %sign3A_406, %sign3A_409 : i32
      %sign3A_411 = arith.constant 0 : i32
      %sign3A_412 = arith.cmpi sgt, %jit3A_402, %sign3A_411 : i32
      %sign3A_413 = arith.extui %sign3A_412 : i1 to i32
      %sign3A_414 = arith.constant 0 : i32
      %sign3A_415 = arith.cmpi slt, %jit3A_402, %sign3A_414 : i32
      %sign3A_416 = arith.extui %sign3A_415 : i1 to i32
      %sign3A_417 = arith.subi %sign3A_413, %sign3A_416 : i32
      %ne3A_418 = arith.cmpi ne, %sign3A_410, %sign3A_417 : i32
      %rem3A_419 = arith.remsi %mul3A_363, %jit3A_402 : i32
      %ne3A_420 = arith.constant 0 : i32
      %ne3A_421 = arith.cmpi ne, %rem3A_419, %ne3A_420 : i32
      %and3A_422 = arith.andi %ne3A_418, %ne3A_421 : i1
      %sub3A_423 = arith.constant 1 : i32
      %sub3A_424 = arith.subi %div3A_403, %sub3A_423 : i32
      %select_n3A_425 = arith.select %and3A_422, %sub3A_424, %div3A_403 : i32
      %mul3A_426 = arith.constant 2 : i32
      %mul3A_427 = arith.muli %mul3A_426, %select_n3A_425 : i32
      %sub3A_428 = arith.subi %mul3A_363, %mul3A_427 : i32
      %mul3A_429 = arith.constant 32 : i32
      %mul3A_430 = arith.muli %mul3A_429, %sub3A_428 : i32
      %add3A_431 = arith.addi %multiple_of3A, %mul3A_430 : i32
      %dma_start3A_432 = arith.constant 0 : i32
      %dma_start3A_433 = tpu.memref_slice %arg6[%select_n3A_425, %add3A_431, %dma_start3A_432] : memref<14x2048x1024xf32, #tpu.memory_space<hbm>> -> memref<1x32x1024xf32, #tpu.memory_space<hbm>>
      %dma_start3A_434 = tpu.memref_squeeze %dma_start3A_433 : memref<1x32x1024xf32, #tpu.memory_space<hbm>> -> memref<32x1024xf32, #tpu.memory_space<hbm>>
      %dma_start3A_435 = arith.constant 0 : i32
      %dma_start3A_436 = tpu.memref_slice %arg6[%select_n3A_425, %add3A_431, %dma_start3A_435] : memref<14x2048x1024xf32, #tpu.memory_space<hbm>> -> memref<1x32x1024xf32, #tpu.memory_space<hbm>>
      %dma_start3A_437 = tpu.memref_squeeze %dma_start3A_436 : memref<1x32x1024xf32, #tpu.memory_space<hbm>> -> memref<32x1024xf32, #tpu.memory_space<hbm>>
      tpu.enqueue_dma source(%arg12 : memref<32x1024xf32, #tpu.memory_space<vmem>>) target(%dma_start3A_437 : memref<32x1024xf32, #tpu.memory_space<hbm>>) target_semaphore(%arg16 : memref<!tpu.dma_semaphore, #tpu.memory_space<semaphore_mem>>)
      %lt3A = arith.constant 13 : i32
      %lt3A_438 = arith.cmpi slt, %scan3A_361, %lt3A : i32
      %convert_element_type3A_439 = arith.extui %lt3A_438 : i1 to i32
      %cond3A_440 = arith.constant 0 : i32
      %cond3A_441 = arith.cmpi ne, %convert_element_type3A_439, %cond3A_440 : i32
      scf.if %cond3A_441 {
        %dma_wait3A_485 = arith.constant 0 : i32
        %dma_wait3A_486 = arith.constant 0 : i32
        %dma_wait3A_487 = tpu.memref_slice %arg6[%dma_wait3A_485, %multiple_of3A, %dma_wait3A_486] : memref<14x2048x1024xf32, #tpu.memory_space<hbm>> -> memref<1x32x1024xf32, #tpu.memory_space<hbm>>
        %dma_wait3A_488 = tpu.memref_squeeze %dma_wait3A_487 : memref<1x32x1024xf32, #tpu.memory_space<hbm>> -> memref<32x1024xf32, #tpu.memory_space<hbm>>
        %dma_wait3A_489 = arith.constant 0 : i32
        %dma_wait3A_490 = tpu.memref_slice %arg6[%dma_wait3A_485, %multiple_of3A, %dma_wait3A_489] : memref<14x2048x1024xf32, #tpu.memory_space<hbm>> -> memref<1x32x1024xf32, #tpu.memory_space<hbm>>
        %dma_wait3A_491 = tpu.memref_squeeze %dma_wait3A_490 : memref<1x32x1024xf32, #tpu.memory_space<hbm>> -> memref<32x1024xf32, #tpu.memory_space<hbm>>
        tpu.wait_dma2 semaphore(%arg16 : memref<!tpu.dma_semaphore, #tpu.memory_space<semaphore_mem>>) src(%arg12 : memref<32x1024xf32, #tpu.memory_space<vmem>>) dst(%dma_wait3A_491 : memref<32x1024xf32, #tpu.memory_space<hbm>>)
        %add3A_492 = arith.constant 2 : i32
        %add3A_493 = arith.addi %mul3A_363, %add3A_492 : i32
        %jit3A_494 = arith.constant 2 : i32
        %div3A_495 = arith.divsi %add3A_493, %jit3A_494 : i32
        %sign3A_496 = arith.constant 0 : i32
        %sign3A_497 = arith.cmpi sgt, %add3A_493, %sign3A_496 : i32
        %sign3A_498 = arith.extui %sign3A_497 : i1 to i32
        %sign3A_499 = arith.constant 0 : i32
        %sign3A_500 = arith.cmpi slt, %add3A_493, %sign3A_499 : i32
        %sign3A_501 = arith.extui %sign3A_500 : i1 to i32
        %sign3A_502 = arith.subi %sign3A_498, %sign3A_501 : i32
        %sign3A_503 = arith.constant 0 : i32
        %sign3A_504 = arith.cmpi sgt, %jit3A_494, %sign3A_503 : i32
        %sign3A_505 = arith.extui %sign3A_504 : i1 to i32
        %sign3A_506 = arith.constant 0 : i32
        %sign3A_507 = arith.cmpi slt, %jit3A_494, %sign3A_506 : i32
        %sign3A_508 = arith.extui %sign3A_507 : i1 to i32
        %sign3A_509 = arith.subi %sign3A_505, %sign3A_508 : i32
        %ne3A_510 = arith.cmpi ne, %sign3A_502, %sign3A_509 : i32
        %rem3A_511 = arith.remsi %add3A_493, %jit3A_494 : i32
        %ne3A_512 = arith.constant 0 : i32
        %ne3A_513 = arith.cmpi ne, %rem3A_511, %ne3A_512 : i32
        %and3A_514 = arith.andi %ne3A_510, %ne3A_513 : i1
        %sub3A_515 = arith.constant 1 : i32
        %sub3A_516 = arith.subi %div3A_495, %sub3A_515 : i32
        %select_n3A_517 = arith.select %and3A_514, %sub3A_516, %div3A_495 : i32
        %mul3A_518 = arith.constant 2 : i32
        %mul3A_519 = arith.muli %mul3A_518, %select_n3A_517 : i32
        %sub3A_520 = arith.subi %add3A_493, %mul3A_519 : i32
        %mul3A_521 = arith.constant 64 : i32
        %mul3A_522 = arith.muli %select_n3A_517, %mul3A_521 : i32
        %mul3A_523 = arith.constant 32 : i32
        %mul3A_524 = arith.muli %mul3A_523, %sub3A_520 : i32
        %add3A_525 = arith.addi %mul3A_522, %mul3A_524 : i32
        %multiple_of3A_526 = tpu.assume_multiple %add3A_525, 32 : i32
        %dma_start3A_527 = tpu.memref_slice %arg7[%multiple_of3A_526] : memref<1408xi32, #tpu.memory_space<vmem>> -> memref<32xi32, #tpu.memory_space<vmem>>
        %dma_start3A_528 = arith.constant 0 : i32
        %dma_start3A_529 = arith.constant 0 : i32
        %dma_start3A_530 = tpu.memref_slice %arg2[%dma_start3A_528, %dma_start3A_529] : memref<2816x1024xf32, #tpu.memory_space<hbm>> -> memref<2816x1024xf32, #tpu.memory_space<hbm>>
        tpu.enqueue_indirect_dma source(%dma_start3A_530 : memref<2816x1024xf32, #tpu.memory_space<hbm>>) target(%arg12 : memref<32x1024xf32, #tpu.memory_space<vmem>>) offsets(%dma_start3A_527 : memref<32xi32, #tpu.memory_space<vmem>>) semaphore(%arg14 : memref<!tpu.dma_semaphore, #tpu.memory_space<semaphore_mem>>)
      } else {
      }
      %dma_wait3A_442 = arith.constant 0 : i32
      %dma_wait3A_443 = tpu.memref_slice %arg7[%dma_wait3A_442] : memref<1408xi32, #tpu.memory_space<vmem>> -> memref<32xi32, #tpu.memory_space<vmem>>
      %dma_wait3A_444 = arith.constant 0 : i32
      %dma_wait3A_445 = arith.constant 0 : i32
      %dma_wait3A_446 = tpu.memref_slice %arg2[%dma_wait3A_444, %dma_wait3A_445] : memref<2816x1024xf32, #tpu.memory_space<hbm>> -> memref<2816x1024xf32, #tpu.memory_space<hbm>>
      tpu.wait_indirect_dma semaphore(%arg15 : memref<!tpu.dma_semaphore, #tpu.memory_space<semaphore_mem>>) src(%dma_wait3A_446 : memref<2816x1024xf32, #tpu.memory_space<hbm>>) dst(%arg13 : memref<32x1024xf32, #tpu.memory_space<vmem>>)
      %add3A_447 = arith.constant 1 : i32
      %add3A_448 = arith.addi %mul3A_363, %add3A_447 : i32
      %jit3A_449 = arith.constant 2 : i32
      %div3A_450 = arith.divsi %add3A_448, %jit3A_449 : i32
      %sign3A_451 = arith.constant 0 : i32
      %sign3A_452 = arith.cmpi sgt, %add3A_448, %sign3A_451 : i32
      %sign3A_453 = arith.extui %sign3A_452 : i1 to i32
      %sign3A_454 = arith.constant 0 : i32
      %sign3A_455 = arith.cmpi slt, %add3A_448, %sign3A_454 : i32
      %sign3A_456 = arith.extui %sign3A_455 : i1 to i32
      %sign3A_457 = arith.subi %sign3A_453, %sign3A_456 : i32
      %sign3A_458 = arith.constant 0 : i32
      %sign3A_459 = arith.cmpi sgt, %jit3A_449, %sign3A_458 : i32
      %sign3A_460 = arith.extui %sign3A_459 : i1 to i32
      %sign3A_461 = arith.constant 0 : i32
      %sign3A_462 = arith.cmpi slt, %jit3A_449, %sign3A_461 : i32
      %sign3A_463 = arith.extui %sign3A_462 : i1 to i32
      %sign3A_464 = arith.subi %sign3A_460, %sign3A_463 : i32
      %ne3A_465 = arith.cmpi ne, %sign3A_457, %sign3A_464 : i32
      %rem3A_466 = arith.remsi %add3A_448, %jit3A_449 : i32
      %ne3A_467 = arith.constant 0 : i32
      %ne3A_468 = arith.cmpi ne, %rem3A_466, %ne3A_467 : i32
      %and3A_469 = arith.andi %ne3A_465, %ne3A_468 : i1
      %sub3A_470 = arith.constant 1 : i32
      %sub3A_471 = arith.subi %div3A_450, %sub3A_470 : i32
      %select_n3A_472 = arith.select %and3A_469, %sub3A_471, %div3A_450 : i32
      %mul3A_473 = arith.constant 2 : i32
      %mul3A_474 = arith.muli %mul3A_473, %select_n3A_472 : i32
      %sub3A_475 = arith.subi %add3A_448, %mul3A_474 : i32
      %mul3A_476 = arith.constant 32 : i32
      %mul3A_477 = arith.muli %mul3A_476, %sub3A_475 : i32
      %add3A_478 = arith.addi %multiple_of3A, %mul3A_477 : i32
      %dma_start3A_479 = arith.constant 0 : i32
      %dma_start3A_480 = tpu.memref_slice %arg6[%select_n3A_472, %add3A_478, %dma_start3A_479] : memref<14x2048x1024xf32, #tpu.memory_space<hbm>> -> memref<1x32x1024xf32, #tpu.memory_space<hbm>>
      %dma_start3A_481 = tpu.memref_squeeze %dma_start3A_480 : memref<1x32x1024xf32, #tpu.memory_space<hbm>> -> memref<32x1024xf32, #tpu.memory_space<hbm>>
      %dma_start3A_482 = arith.constant 0 : i32
      %dma_start3A_483 = tpu.memref_slice %arg6[%select_n3A_472, %add3A_478, %dma_start3A_482] : memref<14x2048x1024xf32, #tpu.memory_space<hbm>> -> memref<1x32x1024xf32, #tpu.memory_space<hbm>>
      %dma_start3A_484 = tpu.memref_squeeze %dma_start3A_483 : memref<1x32x1024xf32, #tpu.memory_space<hbm>> -> memref<32x1024xf32, #tpu.memory_space<hbm>>
      tpu.enqueue_dma source(%arg13 : memref<32x1024xf32, #tpu.memory_space<vmem>>) target(%dma_start3A_484 : memref<32x1024xf32, #tpu.memory_space<hbm>>) target_semaphore(%arg17 : memref<!tpu.dma_semaphore, #tpu.memory_space<semaphore_mem>>)
    }
    %scan3A_296 = arith.constant 14 : i32
    %dma_wait3A_297 = arith.constant 0 : i32
    %dma_wait3A_298 = arith.constant 0 : i32
    %dma_wait3A_299 = tpu.memref_slice %arg6[%dma_wait3A_297, %multiple_of3A, %dma_wait3A_298] : memref<14x2048x1024xf32, #tpu.memory_space<hbm>> -> memref<1x32x1024xf32, #tpu.memory_space<hbm>>
    %dma_wait3A_300 = tpu.memref_squeeze %dma_wait3A_299 : memref<1x32x1024xf32, #tpu.memory_space<hbm>> -> memref<32x1024xf32, #tpu.memory_space<hbm>>
    %dma_wait3A_301 = arith.constant 0 : i32
    %dma_wait3A_302 = tpu.memref_slice %arg6[%dma_wait3A_297, %multiple_of3A, %dma_wait3A_301] : memref<14x2048x1024xf32, #tpu.memory_space<hbm>> -> memref<1x32x1024xf32, #tpu.memory_space<hbm>>
    %dma_wait3A_303 = tpu.memref_squeeze %dma_wait3A_302 : memref<1x32x1024xf32, #tpu.memory_space<hbm>> -> memref<32x1024xf32, #tpu.memory_space<hbm>>
    tpu.wait_dma2 semaphore(%arg16 : memref<!tpu.dma_semaphore, #tpu.memory_space<semaphore_mem>>) src(%arg12 : memref<32x1024xf32, #tpu.memory_space<vmem>>) dst(%dma_wait3A_303 : memref<32x1024xf32, #tpu.memory_space<hbm>>)
    %dma_wait3A_304 = arith.constant 0 : i32
    %dma_wait3A_305 = arith.constant 0 : i32
    %dma_wait3A_306 = tpu.memref_slice %arg6[%dma_wait3A_304, %multiple_of3A, %dma_wait3A_305] : memref<14x2048x1024xf32, #tpu.memory_space<hbm>> -> memref<1x32x1024xf32, #tpu.memory_space<hbm>>
    %dma_wait3A_307 = tpu.memref_squeeze %dma_wait3A_306 : memref<1x32x1024xf32, #tpu.memory_space<hbm>> -> memref<32x1024xf32, #tpu.memory_space<hbm>>
    %dma_wait3A_308 = arith.constant 0 : i32
    %dma_wait3A_309 = tpu.memref_slice %arg6[%dma_wait3A_304, %multiple_of3A, %dma_wait3A_308] : memref<14x2048x1024xf32, #tpu.memory_space<hbm>> -> memref<1x32x1024xf32, #tpu.memory_space<hbm>>
    %dma_wait3A_310 = tpu.memref_squeeze %dma_wait3A_309 : memref<1x32x1024xf32, #tpu.memory_space<hbm>> -> memref<32x1024xf32, #tpu.memory_space<hbm>>
    tpu.wait_dma2 semaphore(%arg17 : memref<!tpu.dma_semaphore, #tpu.memory_space<semaphore_mem>>) src(%arg12 : memref<32x1024xf32, #tpu.memory_space<vmem>>) dst(%dma_wait3A_310 : memref<32x1024xf32, #tpu.memory_space<hbm>>)
    %multiple_of3A_311 = arith.constant 896 : i32
    %multiple_of3A_312 = tpu.assume_multiple %multiple_of3A_311, 8 : i32
    %dma_start3A_313 = tpu.memref_slice %arg7[%multiple_of3A_312] : memref<1408xi32, #tpu.memory_space<vmem>> -> memref<4xi32, #tpu.memory_space<vmem>>
    %dma_start3A_314 = arith.constant 0 : i32
    %dma_start3A_315 = arith.constant 0 : i32
    %dma_start3A_316 = tpu.memref_slice %arg2[%dma_start3A_314, %dma_start3A_315] : memref<2816x1024xf32, #tpu.memory_space<hbm>> -> memref<2816x1024xf32, #tpu.memory_space<hbm>>
    tpu.enqueue_indirect_dma source(%dma_start3A_316 : memref<2816x1024xf32, #tpu.memory_space<hbm>>) target(%arg8 : memref<4x1024xf32, #tpu.memory_space<vmem>>) offsets(%dma_start3A_313 : memref<4xi32, #tpu.memory_space<vmem>>) semaphore(%arg14 : memref<!tpu.dma_semaphore, #tpu.memory_space<semaphore_mem>>)
    %add3A_317 = arith.constant 8 : i32
    %add3A_318 = arith.addi %multiple_of3A_312, %add3A_317 : i32
    %dma_start3A_319 = tpu.memref_slice %arg7[%add3A_318] : memref<1408xi32, #tpu.memory_space<vmem>> -> memref<4xi32, #tpu.memory_space<vmem>>
    %dma_start3A_320 = arith.constant 0 : i32
    %dma_start3A_321 = arith.constant 0 : i32
    %dma_start3A_322 = tpu.memref_slice %arg2[%dma_start3A_320, %dma_start3A_321] : memref<2816x1024xf32, #tpu.memory_space<hbm>> -> memref<2816x1024xf32, #tpu.memory_space<hbm>>
    tpu.enqueue_indirect_dma source(%dma_start3A_322 : memref<2816x1024xf32, #tpu.memory_space<hbm>>) target(%arg9 : memref<4x1024xf32, #tpu.memory_space<vmem>>) offsets(%dma_start3A_319 : memref<4xi32, #tpu.memory_space<vmem>>) semaphore(%arg14 : memref<!tpu.dma_semaphore, #tpu.memory_space<semaphore_mem>>)
    %scan3A_323 = arith.constant 0 : i32
    %scan3A_324 = arith.constant 0 : i32
    %scan3A_325 = arith.constant 32 : i32
    %scan3A_326 = arith.addi %scan3A_324, %scan3A_325 : i32
    %scan3A_327 = arith.constant 1 : i32
    scf.for %scan3A_361 = %scan3A_324 to %scan3A_326 step %scan3A_327  : i32 {
      %mul3A_362 = arith.constant 2 : i32
      %mul3A_363 = arith.muli %mul3A_362, %scan3A_361 : i32
      %add3A_364 = arith.addi %multiple_of3A, %mul3A_363 : i32
      %rem3A = arith.constant 2 : i32
      %rem3A_365 = arith.remsi %scan3A_361, %rem3A : i32
      %eq3A = arith.constant 0 : i32
      %eq3A_366 = arith.cmpi eq, %rem3A_365, %eq3A : i32
      %lt3A = arith.constant 31 : i32
      %lt3A_367 = arith.cmpi slt, %scan3A_361, %lt3A : i32
      %convert_element_type3A = arith.extui %eq3A_366 : i1 to i32
      %cond3A = arith.constant 0 : i32
      %cond3A_368 = arith.cmpi ne, %convert_element_type3A, %cond3A : i32
      scf.if %cond3A_368 {
        %convert_element_type3A_373 = arith.extui %lt3A_367 : i1 to i32
        %cond3A_374 = arith.constant 0 : i32
        %cond3A_375 = arith.cmpi ne, %convert_element_type3A_373, %cond3A_374 : i32
        scf.if %cond3A_375 {
          %gt3A = arith.constant 0 : i32
          %gt3A_404 = arith.cmpi sgt, %scan3A_361, %gt3A : i32
          %convert_element_type3A_405 = arith.extui %gt3A_404 : i1 to i32
          %cond3A_406 = arith.constant 0 : i32
          %cond3A_407 = arith.cmpi ne, %convert_element_type3A_405, %cond3A_406 : i32
          scf.if %cond3A_407 {
            %dma_wait3A_425 = arith.constant 0 : i32
            %dma_wait3A_426 = arith.constant 0 : i32
            %dma_wait3A_427 = tpu.memref_slice %arg5[%multiple_of3A, %dma_wait3A_425, %dma_wait3A_426] : memref<2048x4x1024xf32, #tpu.memory_space<hbm>> -> memref<1x4x1024xf32, #tpu.memory_space<hbm>>
            %dma_wait3A_428 = tpu.memref_squeeze %dma_wait3A_427 : memref<1x4x1024xf32, #tpu.memory_space<hbm>> -> memref<4x1024xf32, #tpu.memory_space<hbm>>
            %dma_wait3A_429 = arith.constant 0 : i32
            %dma_wait3A_430 = arith.constant 0 : i32
            %dma_wait3A_431 = tpu.memref_slice %arg5[%multiple_of3A, %dma_wait3A_429, %dma_wait3A_430] : memref<2048x4x1024xf32, #tpu.memory_space<hbm>> -> memref<1x4x1024xf32, #tpu.memory_space<hbm>>
            %dma_wait3A_432 = tpu.memref_squeeze %dma_wait3A_431 : memref<1x4x1024xf32, #tpu.memory_space<hbm>> -> memref<4x1024xf32, #tpu.memory_space<hbm>>
            tpu.wait_dma2 semaphore(%arg17 : memref<!tpu.dma_semaphore, #tpu.memory_space<semaphore_mem>>) src(%arg8 : memref<4x1024xf32, #tpu.memory_space<vmem>>) dst(%dma_wait3A_432 : memref<4x1024xf32, #tpu.memory_space<hbm>>)
            %dma_wait3A_433 = arith.constant 0 : i32
            %dma_wait3A_434 = arith.constant 0 : i32
            %dma_wait3A_435 = tpu.memref_slice %arg5[%multiple_of3A, %dma_wait3A_433, %dma_wait3A_434] : memref<2048x4x1024xf32, #tpu.memory_space<hbm>> -> memref<1x4x1024xf32, #tpu.memory_space<hbm>>
            %dma_wait3A_436 = tpu.memref_squeeze %dma_wait3A_435 : memref<1x4x1024xf32, #tpu.memory_space<hbm>> -> memref<4x1024xf32, #tpu.memory_space<hbm>>
            %dma_wait3A_437 = arith.constant 0 : i32
            %dma_wait3A_438 = arith.constant 0 : i32
            %dma_wait3A_439 = tpu.memref_slice %arg5[%multiple_of3A, %dma_wait3A_437, %dma_wait3A_438] : memref<2048x4x1024xf32, #tpu.memory_space<hbm>> -> memref<1x4x1024xf32, #tpu.memory_space<hbm>>
            %dma_wait3A_440 = tpu.memref_squeeze %dma_wait3A_439 : memref<1x4x1024xf32, #tpu.memory_space<hbm>> -> memref<4x1024xf32, #tpu.memory_space<hbm>>
            tpu.wait_dma2 semaphore(%arg17 : memref<!tpu.dma_semaphore, #tpu.memory_space<semaphore_mem>>) src(%arg9 : memref<4x1024xf32, #tpu.memory_space<vmem>>) dst(%dma_wait3A_440 : memref<4x1024xf32, #tpu.memory_space<hbm>>)
          } else {
          }
          %add3A_408 = arith.constant 1 : i32
          %add3A_409 = arith.addi %scan3A_361, %add3A_408 : i32
          %mul3A_410 = arith.constant 16 : i32
          %mul3A_411 = arith.muli %mul3A_410, %add3A_409 : i32
          %add3A_412 = arith.constant 896 : i32
          %add3A_413 = arith.addi %add3A_412, %mul3A_411 : i32
          %multiple_of3A_414 = tpu.assume_multiple %add3A_413, 8 : i32
          %dma_start3A_415 = tpu.memref_slice %arg7[%multiple_of3A_414] : memref<1408xi32, #tpu.memory_space<vmem>> -> memref<4xi32, #tpu.memory_space<vmem>>
          %dma_start3A_416 = arith.constant 0 : i32
          %dma_start3A_417 = arith.constant 0 : i32
          %dma_start3A_418 = tpu.memref_slice %arg2[%dma_start3A_416, %dma_start3A_417] : memref<2816x1024xf32, #tpu.memory_space<hbm>> -> memref<2816x1024xf32, #tpu.memory_space<hbm>>
          tpu.enqueue_indirect_dma source(%dma_start3A_418 : memref<2816x1024xf32, #tpu.memory_space<hbm>>) target(%arg10 : memref<4x1024xf32, #tpu.memory_space<vmem>>) offsets(%dma_start3A_415 : memref<4xi32, #tpu.memory_space<vmem>>) semaphore(%arg15 : memref<!tpu.dma_semaphore, #tpu.memory_space<semaphore_mem>>)
          %add3A_419 = arith.constant 8 : i32
          %add3A_420 = arith.addi %multiple_of3A_414, %add3A_419 : i32
          %dma_start3A_421 = tpu.memref_slice %arg7[%add3A_420] : memref<1408xi32, #tpu.memory_space<vmem>> -> memref<4xi32, #tpu.memory_space<vmem>>
          %dma_start3A_422 = arith.constant 0 : i32
          %dma_start3A_423 = arith.constant 0 : i32
          %dma_start3A_424 = tpu.memref_slice %arg2[%dma_start3A_422, %dma_start3A_423] : memref<2816x1024xf32, #tpu.memory_space<hbm>> -> memref<2816x1024xf32, #tpu.memory_space<hbm>>
          tpu.enqueue_indirect_dma source(%dma_start3A_424 : memref<2816x1024xf32, #tpu.memory_space<hbm>>) target(%arg11 : memref<4x1024xf32, #tpu.memory_space<vmem>>) offsets(%dma_start3A_421 : memref<4xi32, #tpu.memory_space<vmem>>) semaphore(%arg15 : memref<!tpu.dma_semaphore, #tpu.memory_space<semaphore_mem>>)
        } else {
        }
        %dma_wait3A_376 = arith.constant 896 : i32
        %dma_wait3A_377 = tpu.memref_slice %arg7[%dma_wait3A_376] : memref<1408xi32, #tpu.memory_space<vmem>> -> memref<4xi32, #tpu.memory_space<vmem>>
        %dma_wait3A_378 = arith.constant 0 : i32
        %dma_wait3A_379 = arith.constant 0 : i32
        %dma_wait3A_380 = tpu.memref_slice %arg2[%dma_wait3A_378, %dma_wait3A_379] : memref<2816x1024xf32, #tpu.memory_space<hbm>> -> memref<2816x1024xf32, #tpu.memory_space<hbm>>
        tpu.wait_indirect_dma semaphore(%arg14 : memref<!tpu.dma_semaphore, #tpu.memory_space<semaphore_mem>>) src(%dma_wait3A_380 : memref<2816x1024xf32, #tpu.memory_space<hbm>>) dst(%arg8 : memref<4x1024xf32, #tpu.memory_space<vmem>>)
        %dma_wait3A_381 = arith.constant 896 : i32
        %dma_wait3A_382 = tpu.memref_slice %arg7[%dma_wait3A_381] : memref<1408xi32, #tpu.memory_space<vmem>> -> memref<4xi32, #tpu.memory_space<vmem>>
        %dma_wait3A_383 = arith.constant 0 : i32
        %dma_wait3A_384 = arith.constant 0 : i32
        %dma_wait3A_385 = tpu.memref_slice %arg2[%dma_wait3A_383, %dma_wait3A_384] : memref<2816x1024xf32, #tpu.memory_space<hbm>> -> memref<2816x1024xf32, #tpu.memory_space<hbm>>
        tpu.wait_indirect_dma semaphore(%arg14 : memref<!tpu.dma_semaphore, #tpu.memory_space<semaphore_mem>>) src(%dma_wait3A_385 : memref<2816x1024xf32, #tpu.memory_space<hbm>>) dst(%arg9 : memref<4x1024xf32, #tpu.memory_space<vmem>>)
        %dma_start3A_386 = arith.constant 0 : i32
        %dma_start3A_387 = arith.constant 0 : i32
        %dma_start3A_388 = tpu.memref_slice %arg5[%add3A_364, %dma_start3A_386, %dma_start3A_387] : memref<2048x4x1024xf32, #tpu.memory_space<hbm>> -> memref<1x4x1024xf32, #tpu.memory_space<hbm>>
        %dma_start3A_389 = tpu.memref_squeeze %dma_start3A_388 : memref<1x4x1024xf32, #tpu.memory_space<hbm>> -> memref<4x1024xf32, #tpu.memory_space<hbm>>
        %dma_start3A_390 = arith.constant 0 : i32
        %dma_start3A_391 = arith.constant 0 : i32
        %dma_start3A_392 = tpu.memref_slice %arg5[%add3A_364, %dma_start3A_390, %dma_start3A_391] : memref<2048x4x1024xf32, #tpu.memory_space<hbm>> -> memref<1x4x1024xf32, #tpu.memory_space<hbm>>
        %dma_start3A_393 = tpu.memref_squeeze %dma_start3A_392 : memref<1x4x1024xf32, #tpu.memory_space<hbm>> -> memref<4x1024xf32, #tpu.memory_space<hbm>>
        tpu.enqueue_dma source(%arg8 : memref<4x1024xf32, #tpu.memory_space<vmem>>) target(%dma_start3A_393 : memref<4x1024xf32, #tpu.memory_space<hbm>>) target_semaphore(%arg16 : memref<!tpu.dma_semaphore, #tpu.memory_space<semaphore_mem>>)
        %add3A_394 = arith.constant 1 : i32
        %add3A_395 = arith.addi %add3A_364, %add3A_394 : i32
        %dma_start3A_396 = arith.constant 0 : i32
        %dma_start3A_397 = arith.constant 0 : i32
        %dma_start3A_398 = tpu.memref_slice %arg5[%add3A_395, %dma_start3A_396, %dma_start3A_397] : memref<2048x4x1024xf32, #tpu.memory_space<hbm>> -> memref<1x4x1024xf32, #tpu.memory_space<hbm>>
        %dma_start3A_399 = tpu.memref_squeeze %dma_start3A_398 : memref<1x4x1024xf32, #tpu.memory_space<hbm>> -> memref<4x1024xf32, #tpu.memory_space<hbm>>
        %dma_start3A_400 = arith.constant 0 : i32
        %dma_start3A_401 = arith.constant 0 : i32
        %dma_start3A_402 = tpu.memref_slice %arg5[%add3A_395, %dma_start3A_400, %dma_start3A_401] : memref<2048x4x1024xf32, #tpu.memory_space<hbm>> -> memref<1x4x1024xf32, #tpu.memory_space<hbm>>
        %dma_start3A_403 = tpu.memref_squeeze %dma_start3A_402 : memref<1x4x1024xf32, #tpu.memory_space<hbm>> -> memref<4x1024xf32, #tpu.memory_space<hbm>>
        tpu.enqueue_dma source(%arg9 : memref<4x1024xf32, #tpu.memory_space<vmem>>) target(%dma_start3A_403 : memref<4x1024xf32, #tpu.memory_space<hbm>>) target_semaphore(%arg16 : memref<!tpu.dma_semaphore, #tpu.memory_space<semaphore_mem>>)
      } else {
      }
      %not3A = arith.constant true
      %not3A_369 = arith.xori %eq3A_366, %not3A : i1
      %convert_element_type3A_370 = arith.extui %not3A_369 : i1 to i32
      %cond3A_371 = arith.constant 0 : i32
      %cond3A_372 = arith.cmpi ne, %convert_element_type3A_370, %cond3A_371 : i32
      scf.if %cond3A_372 {
        %convert_element_type3A_373 = arith.extui %lt3A_367 : i1 to i32
        %cond3A_374 = arith.constant 0 : i32
        %cond3A_375 = arith.cmpi ne, %convert_element_type3A_373, %cond3A_374 : i32
        scf.if %cond3A_375 {
          %dma_wait3A_404 = arith.constant 0 : i32
          %dma_wait3A_405 = arith.constant 0 : i32
          %dma_wait3A_406 = tpu.memref_slice %arg5[%multiple_of3A, %dma_wait3A_404, %dma_wait3A_405] : memref<2048x4x1024xf32, #tpu.memory_space<hbm>> -> memref<1x4x1024xf32, #tpu.memory_space<hbm>>
          %dma_wait3A_407 = tpu.memref_squeeze %dma_wait3A_406 : memref<1x4x1024xf32, #tpu.memory_space<hbm>> -> memref<4x1024xf32, #tpu.memory_space<hbm>>
          %dma_wait3A_408 = arith.constant 0 : i32
          %dma_wait3A_409 = arith.constant 0 : i32
          %dma_wait3A_410 = tpu.memref_slice %arg5[%multiple_of3A, %dma_wait3A_408, %dma_wait3A_409] : memref<2048x4x1024xf32, #tpu.memory_space<hbm>> -> memref<1x4x1024xf32, #tpu.memory_space<hbm>>
          %dma_wait3A_411 = tpu.memref_squeeze %dma_wait3A_410 : memref<1x4x1024xf32, #tpu.memory_space<hbm>> -> memref<4x1024xf32, #tpu.memory_space<hbm>>
          tpu.wait_dma2 semaphore(%arg16 : memref<!tpu.dma_semaphore, #tpu.memory_space<semaphore_mem>>) src(%arg8 : memref<4x1024xf32, #tpu.memory_space<vmem>>) dst(%dma_wait3A_411 : memref<4x1024xf32, #tpu.memory_space<hbm>>)
          %dma_wait3A_412 = arith.constant 0 : i32
          %dma_wait3A_413 = arith.constant 0 : i32
          %dma_wait3A_414 = tpu.memref_slice %arg5[%multiple_of3A, %dma_wait3A_412, %dma_wait3A_413] : memref<2048x4x1024xf32, #tpu.memory_space<hbm>> -> memref<1x4x1024xf32, #tpu.memory_space<hbm>>
          %dma_wait3A_415 = tpu.memref_squeeze %dma_wait3A_414 : memref<1x4x1024xf32, #tpu.memory_space<hbm>> -> memref<4x1024xf32, #tpu.memory_space<hbm>>
          %dma_wait3A_416 = arith.constant 0 : i32
          %dma_wait3A_417 = arith.constant 0 : i32
          %dma_wait3A_418 = tpu.memref_slice %arg5[%multiple_of3A, %dma_wait3A_416, %dma_wait3A_417] : memref<2048x4x1024xf32, #tpu.memory_space<hbm>> -> memref<1x4x1024xf32, #tpu.memory_space<hbm>>
          %dma_wait3A_419 = tpu.memref_squeeze %dma_wait3A_418 : memref<1x4x1024xf32, #tpu.memory_space<hbm>> -> memref<4x1024xf32, #tpu.memory_space<hbm>>
          tpu.wait_dma2 semaphore(%arg16 : memref<!tpu.dma_semaphore, #tpu.memory_space<semaphore_mem>>) src(%arg9 : memref<4x1024xf32, #tpu.memory_space<vmem>>) dst(%dma_wait3A_419 : memref<4x1024xf32, #tpu.memory_space<hbm>>)
          %add3A_420 = arith.constant 1 : i32
          %add3A_421 = arith.addi %scan3A_361, %add3A_420 : i32
          %mul3A_422 = arith.constant 16 : i32
          %mul3A_423 = arith.muli %mul3A_422, %add3A_421 : i32
          %add3A_424 = arith.constant 896 : i32
          %add3A_425 = arith.addi %add3A_424, %mul3A_423 : i32
          %multiple_of3A_426 = tpu.assume_multiple %add3A_425, 8 : i32
          %dma_start3A_427 = tpu.memref_slice %arg7[%multiple_of3A_426] : memref<1408xi32, #tpu.memory_space<vmem>> -> memref<4xi32, #tpu.memory_space<vmem>>
          %dma_start3A_428 = arith.constant 0 : i32
          %dma_start3A_429 = arith.constant 0 : i32
          %dma_start3A_430 = tpu.memref_slice %arg2[%dma_start3A_428, %dma_start3A_429] : memref<2816x1024xf32, #tpu.memory_space<hbm>> -> memref<2816x1024xf32, #tpu.memory_space<hbm>>
          tpu.enqueue_indirect_dma source(%dma_start3A_430 : memref<2816x1024xf32, #tpu.memory_space<hbm>>) target(%arg8 : memref<4x1024xf32, #tpu.memory_space<vmem>>) offsets(%dma_start3A_427 : memref<4xi32, #tpu.memory_space<vmem>>) semaphore(%arg14 : memref<!tpu.dma_semaphore, #tpu.memory_space<semaphore_mem>>)
          %add3A_431 = arith.constant 8 : i32
          %add3A_432 = arith.addi %multiple_of3A_426, %add3A_431 : i32
          %dma_start3A_433 = tpu.memref_slice %arg7[%add3A_432] : memref<1408xi32, #tpu.memory_space<vmem>> -> memref<4xi32, #tpu.memory_space<vmem>>
          %dma_start3A_434 = arith.constant 0 : i32
          %dma_start3A_435 = arith.constant 0 : i32
          %dma_start3A_436 = tpu.memref_slice %arg2[%dma_start3A_434, %dma_start3A_435] : memref<2816x1024xf32, #tpu.memory_space<hbm>> -> memref<2816x1024xf32, #tpu.memory_space<hbm>>
          tpu.enqueue_indirect_dma source(%dma_start3A_436 : memref<2816x1024xf32, #tpu.memory_space<hbm>>) target(%arg9 : memref<4x1024xf32, #tpu.memory_space<vmem>>) offsets(%dma_start3A_433 : memref<4xi32, #tpu.memory_space<vmem>>) semaphore(%arg14 : memref<!tpu.dma_semaphore, #tpu.memory_space<semaphore_mem>>)
        } else {
        }
        %dma_wait3A_376 = arith.constant 896 : i32
        %dma_wait3A_377 = tpu.memref_slice %arg7[%dma_wait3A_376] : memref<1408xi32, #tpu.memory_space<vmem>> -> memref<4xi32, #tpu.memory_space<vmem>>
        %dma_wait3A_378 = arith.constant 0 : i32
        %dma_wait3A_379 = arith.constant 0 : i32
        %dma_wait3A_380 = tpu.memref_slice %arg2[%dma_wait3A_378, %dma_wait3A_379] : memref<2816x1024xf32, #tpu.memory_space<hbm>> -> memref<2816x1024xf32, #tpu.memory_space<hbm>>
        tpu.wait_indirect_dma semaphore(%arg15 : memref<!tpu.dma_semaphore, #tpu.memory_space<semaphore_mem>>) src(%dma_wait3A_380 : memref<2816x1024xf32, #tpu.memory_space<hbm>>) dst(%arg10 : memref<4x1024xf32, #tpu.memory_space<vmem>>)
        %dma_wait3A_381 = arith.constant 896 : i32
        %dma_wait3A_382 = tpu.memref_slice %arg7[%dma_wait3A_381] : memref<1408xi32, #tpu.memory_space<vmem>> -> memref<4xi32, #tpu.memory_space<vmem>>
        %dma_wait3A_383 = arith.constant 0 : i32
        %dma_wait3A_384 = arith.constant 0 : i32
        %dma_wait3A_385 = tpu.memref_slice %arg2[%dma_wait3A_383, %dma_wait3A_384] : memref<2816x1024xf32, #tpu.memory_space<hbm>> -> memref<2816x1024xf32, #tpu.memory_space<hbm>>
        tpu.wait_indirect_dma semaphore(%arg15 : memref<!tpu.dma_semaphore, #tpu.memory_space<semaphore_mem>>) src(%dma_wait3A_385 : memref<2816x1024xf32, #tpu.memory_space<hbm>>) dst(%arg11 : memref<4x1024xf32, #tpu.memory_space<vmem>>)
        %dma_start3A_386 = arith.constant 0 : i32
        %dma_start3A_387 = arith.constant 0 : i32
        %dma_start3A_388 = tpu.memref_slice %arg5[%add3A_364, %dma_start3A_386, %dma_start3A_387] : memref<2048x4x1024xf32, #tpu.memory_space<hbm>> -> memref<1x4x1024xf32, #tpu.memory_space<hbm>>
        %dma_start3A_389 = tpu.memref_squeeze %dma_start3A_388 : memref<1x4x1024xf32, #tpu.memory_space<hbm>> -> memref<4x1024xf32, #tpu.memory_space<hbm>>
        %dma_start3A_390 = arith.constant 0 : i32
        %dma_start3A_391 = arith.constant 0 : i32
        %dma_start3A_392 = tpu.memref_slice %arg5[%add3A_364, %dma_start3A_390, %dma_start3A_391] : memref<2048x4x1024xf32, #tpu.memory_space<hbm>> -> memref<1x4x1024xf32, #tpu.memory_space<hbm>>
        %dma_start3A_393 = tpu.memref_squeeze %dma_start3A_392 : memref<1x4x1024xf32, #tpu.memory_space<hbm>> -> memref<4x1024xf32, #tpu.memory_space<hbm>>
        tpu.enqueue_dma source(%arg10 : memref<4x1024xf32, #tpu.memory_space<vmem>>) target(%dma_start3A_393 : memref<4x1024xf32, #tpu.memory_space<hbm>>) target_semaphore(%arg17 : memref<!tpu.dma_semaphore, #tpu.memory_space<semaphore_mem>>)
        %add3A_394 = arith.constant 1 : i32
        %add3A_395 = arith.addi %add3A_364, %add3A_394 : i32
        %dma_start3A_396 = arith.constant 0 : i32
        %dma_start3A_397 = arith.constant 0 : i32
        %dma_start3A_398 = tpu.memref_slice %arg5[%add3A_395, %dma_start3A_396, %dma_start3A_397] : memref<2048x4x1024xf32, #tpu.memory_space<hbm>> -> memref<1x4x1024xf32, #tpu.memory_space<hbm>>
        %dma_start3A_399 = tpu.memref_squeeze %dma_start3A_398 : memref<1x4x1024xf32, #tpu.memory_space<hbm>> -> memref<4x1024xf32, #tpu.memory_space<hbm>>
        %dma_start3A_400 = arith.constant 0 : i32
        %dma_start3A_401 = arith.constant 0 : i32
        %dma_start3A_402 = tpu.memref_slice %arg5[%add3A_395, %dma_start3A_400, %dma_start3A_401] : memref<2048x4x1024xf32, #tpu.memory_space<hbm>> -> memref<1x4x1024xf32, #tpu.memory_space<hbm>>
        %dma_start3A_403 = tpu.memref_squeeze %dma_start3A_402 : memref<1x4x1024xf32, #tpu.memory_space<hbm>> -> memref<4x1024xf32, #tpu.memory_space<hbm>>
        tpu.enqueue_dma source(%arg11 : memref<4x1024xf32, #tpu.memory_space<vmem>>) target(%dma_start3A_403 : memref<4x1024xf32, #tpu.memory_space<hbm>>) target_semaphore(%arg17 : memref<!tpu.dma_semaphore, #tpu.memory_space<semaphore_mem>>)
      } else {
      }
    }
    %scan3A_328 = arith.constant 32 : i32
    %dma_wait3A_329 = arith.constant 0 : i32
    %dma_wait3A_330 = arith.constant 0 : i32
    %dma_wait3A_331 = tpu.memref_slice %arg5[%multiple_of3A, %dma_wait3A_329, %dma_wait3A_330] : memref<2048x4x1024xf32, #tpu.memory_space<hbm>> -> memref<1x4x1024xf32, #tpu.memory_space<hbm>>
    %dma_wait3A_332 = tpu.memref_squeeze %dma_wait3A_331 : memref<1x4x1024xf32, #tpu.memory_space<hbm>> -> memref<4x1024xf32, #tpu.memory_space<hbm>>
    %dma_wait3A_333 = arith.constant 0 : i32
    %dma_wait3A_334 = arith.constant 0 : i32
    %dma_wait3A_335 = tpu.memref_slice %arg5[%multiple_of3A, %dma_wait3A_333, %dma_wait3A_334] : memref<2048x4x1024xf32, #tpu.memory_space<hbm>> -> memref<1x4x1024xf32, #tpu.memory_space<hbm>>
    %dma_wait3A_336 = tpu.memref_squeeze %dma_wait3A_335 : memref<1x4x1024xf32, #tpu.memory_space<hbm>> -> memref<4x1024xf32, #tpu.memory_space<hbm>>
    tpu.wait_dma2 semaphore(%arg16 : memref<!tpu.dma_semaphore, #tpu.memory_space<semaphore_mem>>) src(%arg8 : memref<4x1024xf32, #tpu.memory_space<vmem>>) dst(%dma_wait3A_336 : memref<4x1024xf32, #tpu.memory_space<hbm>>)
    %dma_wait3A_337 = arith.constant 0 : i32
    %dma_wait3A_338 = arith.constant 0 : i32
    %dma_wait3A_339 = tpu.memref_slice %arg5[%multiple_of3A, %dma_wait3A_337, %dma_wait3A_338] : memref<2048x4x1024xf32, #tpu.memory_space<hbm>> -> memref<1x4x1024xf32, #tpu.memory_space<hbm>>
    %dma_wait3A_340 = tpu.memref_squeeze %dma_wait3A_339 : memref<1x4x1024xf32, #tpu.memory_space<hbm>> -> memref<4x1024xf32, #tpu.memory_space<hbm>>
    %dma_wait3A_341 = arith.constant 0 : i32
    %dma_wait3A_342 = arith.constant 0 : i32
    %dma_wait3A_343 = tpu.memref_slice %arg5[%multiple_of3A, %dma_wait3A_341, %dma_wait3A_342] : memref<2048x4x1024xf32, #tpu.memory_space<hbm>> -> memref<1x4x1024xf32, #tpu.memory_space<hbm>>
    %dma_wait3A_344 = tpu.memref_squeeze %dma_wait3A_343 : memref<1x4x1024xf32, #tpu.memory_space<hbm>> -> memref<4x1024xf32, #tpu.memory_space<hbm>>
    tpu.wait_dma2 semaphore(%arg16 : memref<!tpu.dma_semaphore, #tpu.memory_space<semaphore_mem>>) src(%arg9 : memref<4x1024xf32, #tpu.memory_space<vmem>>) dst(%dma_wait3A_344 : memref<4x1024xf32, #tpu.memory_space<hbm>>)
    %dma_wait3A_345 = arith.constant 0 : i32
    %dma_wait3A_346 = arith.constant 0 : i32
    %dma_wait3A_347 = tpu.memref_slice %arg5[%multiple_of3A, %dma_wait3A_345, %dma_wait3A_346] : memref<2048x4x1024xf32, #tpu.memory_space<hbm>> -> memref<1x4x1024xf32, #tpu.memory_space<hbm>>
    %dma_wait3A_348 = tpu.memref_squeeze %dma_wait3A_347 : memref<1x4x1024xf32, #tpu.memory_space<hbm>> -> memref<4x1024xf32, #tpu.memory_space<hbm>>
    %dma_wait3A_349 = arith.constant 0 : i32
    %dma_wait3A_350 = arith.constant 0 : i32
    %dma_wait3A_351 = tpu.memref_slice %arg5[%multiple_of3A, %dma_wait3A_349, %dma_wait3A_350] : memref<2048x4x1024xf32, #tpu.memory_space<hbm>> -> memref<1x4x1024xf32, #tpu.memory_space<hbm>>
    %dma_wait3A_352 = tpu.memref_squeeze %dma_wait3A_351 : memref<1x4x1024xf32, #tpu.memory_space<hbm>> -> memref<4x1024xf32, #tpu.memory_space<hbm>>
    tpu.wait_dma2 semaphore(%arg17 : memref<!tpu.dma_semaphore, #tpu.memory_space<semaphore_mem>>) src(%arg8 : memref<4x1024xf32, #tpu.memory_space<vmem>>) dst(%dma_wait3A_352 : memref<4x1024xf32, #tpu.memory_space<hbm>>)
    %dma_wait3A_353 = arith.constant 0 : i32
    %dma_wait3A_354 = arith.constant 0 : i32
    %dma_wait3A_355 = tpu.memref_slice %arg5[%multiple_of3A, %dma_wait3A_353, %dma_wait3A_354] : memref<2048x4x1024xf32, #tpu.memory_space<hbm>> -> memref<1x4x1024xf32, #tpu.memory_space<hbm>>
    %dma_wait3A_356 = tpu.memref_squeeze %dma_wait3A_355 : memref<1x4x1024xf32, #tpu.memory_space<hbm>> -> memref<4x1024xf32, #tpu.memory_space<hbm>>
    %dma_wait3A_357 = arith.constant 0 : i32
    %dma_wait3A_358 = arith.constant 0 : i32
    %dma_wait3A_359 = tpu.memref_slice %arg5[%multiple_of3A, %dma_wait3A_357, %dma_wait3A_358] : memref<2048x4x1024xf32, #tpu.memory_space<hbm>> -> memref<1x4x1024xf32, #tpu.memory_space<hbm>>
    %dma_wait3A_360 = tpu.memref_squeeze %dma_wait3A_359 : memref<1x4x1024xf32, #tpu.memory_space<hbm>> -> memref<4x1024xf32, #tpu.memory_space<hbm>>
    tpu.wait_dma2 semaphore(%arg17 : memref<!tpu.dma_semaphore, #tpu.memory_space<semaphore_mem>>) src(%arg9 : memref<4x1024xf32, #tpu.memory_space<vmem>>) dst(%dma_wait3A_360 : memref<4x1024xf32, #tpu.memory_space<hbm>>)
    return
  }
}

module attributes {stable_mosaic.version = 14 : i64} {
  func.func @_dist_kernel(%arg0: i32, %arg1: memref<512x1024xf32, #tpu.memory_space<vmem>>, %arg2: memref<512x1xf32, #tpu.memory_space<vmem>>, %arg3: memref<2816x1024xf32, #tpu.memory_space<vmem>>, %arg4: memref<1x2816xf32, #tpu.memory_space<vmem>>, %arg5: memref<512x8xi32, #tpu.memory_space<vmem>>, %arg6: memref<512x4xi32, #tpu.memory_space<vmem>>, %arg7: memref<1x1x4xf32, #tpu.memory_space<vmem>>, %arg8: memref<4x256xf32, #tpu.memory_space<vmem>>) attributes {dimension_semantics = [#tpu.dimension_semantics<arbitrary>], iteration_bounds = array<i64: 4>, scalar_prefetch = 0 : i64, scratch_operands = 0 : i64, tpu.core_type = #tpu.core_type<tc>, window_params = [{transform_indices = @transform_0, window_bounds = array<i64: 512, 1024>}, {transform_indices = @transform_1, window_bounds = array<i64: 512, 1>}, {pipeline_mode = #tpu.pipeline_mode<synchronous>, transform_indices = @transform_2, window_bounds = array<i64: 2816, 1024>}, {pipeline_mode = #tpu.pipeline_mode<synchronous>, transform_indices = @transform_3, window_bounds = array<i64: 1, 2816>}, {transform_indices = @transform_4, window_bounds = array<i64: 512, 8>}, {transform_indices = @transform_5, window_bounds = array<i64: 512, 4>}, {transform_indices = @transform_6, window_bounds = array<i64: 1, 1, 4>}, {pipeline_mode = #tpu.pipeline_mode<synchronous>, transform_indices = @transform_7, window_bounds = array<i64: 4, 256>}]} {
    %get3A = arith.constant 0 : index
    %get3A_0 = arith.constant 0 : index
    %get3A_1 = vector.load %arg1[%get3A, %get3A_0] : memref<512x1024xf32, #tpu.memory_space<vmem>>, vector<512x1024xf32>
    %get3A_2 = arith.constant 0 : index
    %get3A_3 = arith.constant 0 : index
    %get3A_4 = vector.load %arg3[%get3A_2, %get3A_3] : memref<2816x1024xf32, #tpu.memory_space<vmem>>, vector<2816x1024xf32>
    %dot_general3A = arith.constant dense<0.000000e+00> : vector<512x2816xf32>
    %dot_general3A_5 = tpu.matmul %get3A_1, %get3A_4, %dot_general3A {dimension_numbers = #tpu.dot_dimension_numbers<[1], [1], [0], [0], [0, 0, 1, 0], [], []>, transpose_lhs_hint = false} : vector<512x1024xf32>, vector<2816x1024xf32>, vector<512x2816xf32> -> vector<512x2816xf32>
    %get3A_6 = arith.constant 0 : index
    %get3A_7 = arith.constant 0 : index
    %get3A_8 = vector.load %arg2[%get3A_6, %get3A_7] : memref<512x1xf32, #tpu.memory_space<vmem>>, vector<512x1xf32>
    %get3A_9 = arith.constant 0 : index
    %get3A_10 = arith.constant 0 : index
    %get3A_11 = vector.load %arg4[%get3A_9, %get3A_10] : memref<1x2816xf32, #tpu.memory_space<vmem>>, vector<1x2816xf32>
    %add3A = vector.broadcast %get3A_8 : vector<512x1xf32> to vector<512x2816xf32>
    %add3A_12 = vector.broadcast %get3A_11 : vector<1x2816xf32> to vector<512x2816xf32>
    %add3A_13 = arith.addf %add3A, %add3A_12 : vector<512x2816xf32>
    %mul3A = arith.constant 2.000000e+00 : f32
    %mul3A_14 = vector.broadcast %mul3A : f32 to vector<512x2816xf32>
    %mul3A_15 = arith.mulf %mul3A_14, %dot_general3A_5 : vector<512x2816xf32>
    %sub3A = arith.subf %add3A_13, %mul3A_15 : vector<512x2816xf32>
    %iota3A = tpu.iota {dimensions = array<i32: 1>} : vector<512x2816xi32>
    %iota3A_16 = tpu.iota {dimensions = array<i32: 1>} : vector<512x256xi32>
    %ge3A = arith.constant 0 : i32
    %ge3A_17 = vector.broadcast %ge3A : i32 to vector<512x2816xi32>
    %ge3A_18 = arith.cmpi sge, %iota3A, %ge3A_17 : vector<512x2816xi32>
    %lt3A = arith.constant 400 : i32
    %lt3A_19 = vector.broadcast %lt3A : i32 to vector<512x2816xi32>
    %lt3A_20 = arith.cmpi slt, %iota3A, %lt3A_19 : vector<512x2816xi32>
    %and3A = arith.andi %ge3A_18, %lt3A_20 : vector<512x2816xi1>
    %jit3A = arith.constant 0x7F800000 : f32
    %broadcast_in_dim3A = vector.broadcast %jit3A : f32 to vector<512x2816xf32>
    %select_n3A = arith.select %and3A, %sub3A, %broadcast_in_dim3A : vector<512x2816xi1>, vector<512x2816xf32>
    %reduce_min3A = arith.constant dense<0x7F800000> : vector<512xf32>
    %reduce_min3A_21 = vector.multi_reduction <minimumf>, %select_n3A, %reduce_min3A [1] : vector<512x2816xf32> to vector<512xf32>
    %broadcast_in_dim3A_22 = vector.shape_cast %reduce_min3A_21 : vector<512xf32> to vector<512x1xf32>
    %eq3A = vector.broadcast %broadcast_in_dim3A_22 : vector<512x1xf32> to vector<512x2816xf32>
    %eq3A_23 = arith.cmpf oeq, %select_n3A, %eq3A : vector<512x2816xf32>
    %and3A_24 = arith.andi %and3A, %eq3A_23 : vector<512x2816xi1>
    %jit3A_25 = arith.constant 2147483647 : i32
    %broadcast_in_dim3A_26 = vector.broadcast %jit3A_25 : i32 to vector<512x2816xi32>
    %select_n3A_27 = arith.select %and3A_24, %iota3A, %broadcast_in_dim3A_26 : vector<512x2816xi1>, vector<512x2816xi32>
    %reduce_min3A_28 = arith.constant dense<2147483647> : vector<512xi32>
    %reduce_min3A_29 = vector.multi_reduction <minsi>, %select_n3A_27, %reduce_min3A_28 [1] : vector<512x2816xi32> to vector<512xi32>
    %broadcast_in_dim3A_30 = vector.shape_cast %reduce_min3A_29 : vector<512xi32> to vector<512x1xi32>
    %sub3A_31 = arith.constant 0 : i32
    %sub3A_32 = vector.broadcast %sub3A_31 : i32 to vector<512x1xi32>
    %sub3A_33 = arith.subi %broadcast_in_dim3A_30, %sub3A_32 : vector<512x1xi32>
    %jit3A_34 = arith.constant 2 : i32
    %div3A = vector.broadcast %jit3A_34 : i32 to vector<512x1xi32>
    %div3A_35 = arith.divsi %sub3A_33, %div3A : vector<512x1xi32>
    %sign3A = arith.constant 0 : i32
    %sign3A_36 = vector.broadcast %sign3A : i32 to vector<512x1xi32>
    %sign3A_37 = arith.cmpi sgt, %sub3A_33, %sign3A_36 : vector<512x1xi32>
    %sign3A_38 = arith.extui %sign3A_37 : vector<512x1xi1> to vector<512x1xi32>
    %sign3A_39 = arith.constant 0 : i32
    %sign3A_40 = vector.broadcast %sign3A_39 : i32 to vector<512x1xi32>
    %sign3A_41 = arith.cmpi slt, %sub3A_33, %sign3A_40 : vector<512x1xi32>
    %sign3A_42 = arith.extui %sign3A_41 : vector<512x1xi1> to vector<512x1xi32>
    %sign3A_43 = arith.subi %sign3A_38, %sign3A_42 : vector<512x1xi32>
    %sign3A_44 = arith.constant 0 : i32
    %sign3A_45 = arith.cmpi sgt, %jit3A_34, %sign3A_44 : i32
    %sign3A_46 = arith.extui %sign3A_45 : i1 to i32
    %sign3A_47 = arith.constant 0 : i32
    %sign3A_48 = arith.cmpi slt, %jit3A_34, %sign3A_47 : i32
    %sign3A_49 = arith.extui %sign3A_48 : i1 to i32
    %sign3A_50 = arith.subi %sign3A_46, %sign3A_49 : i32
    %ne3A = vector.broadcast %sign3A_50 : i32 to vector<512x1xi32>
    %ne3A_51 = arith.cmpi ne, %sign3A_43, %ne3A : vector<512x1xi32>
    %rem3A = vector.broadcast %jit3A_34 : i32 to vector<512x1xi32>
    %rem3A_52 = arith.remsi %sub3A_33, %rem3A : vector<512x1xi32>
    %ne3A_53 = arith.constant 0 : i32
    %ne3A_54 = vector.broadcast %ne3A_53 : i32 to vector<512x1xi32>
    %ne3A_55 = arith.cmpi ne, %rem3A_52, %ne3A_54 : vector<512x1xi32>
    %and3A_56 = arith.andi %ne3A_51, %ne3A_55 : vector<512x1xi1>
    %sub3A_57 = arith.constant 1 : i32
    %sub3A_58 = vector.broadcast %sub3A_57 : i32 to vector<512x1xi32>
    %sub3A_59 = arith.subi %div3A_35, %sub3A_58 : vector<512x1xi32>
    %select_n3A_60 = arith.select %and3A_56, %sub3A_59, %div3A_35 : vector<512x1xi1>, vector<512x1xi32>
    %eq3A_61 = vector.broadcast %select_n3A_60 : vector<512x1xi32> to vector<512x256xi32>
    %eq3A_62 = arith.cmpi eq, %eq3A_61, %iota3A_16 : vector<512x256xi32>
    %convert_element_type3A = arith.extui %eq3A_62 : vector<512x256xi1> to vector<512x256xi32>
    %convert_element_type3A_63 = arith.sitofp %convert_element_type3A : vector<512x256xi32> to vector<512x256xf32>
    %reduce_sum3A = arith.constant dense<0.000000e+00> : vector<256xf32>
    %reduce_sum3A_64 = vector.multi_reduction <add>, %convert_element_type3A_63, %reduce_sum3A [0] : vector<512x256xf32> to vector<256xf32>
    %broadcast_in_dim3A_65 = vector.shape_cast %reduce_sum3A_64 : vector<256xf32> to vector<1x256xf32>
    %ge3A_66 = arith.constant 400 : i32
    %ge3A_67 = vector.broadcast %ge3A_66 : i32 to vector<512x2816xi32>
    %ge3A_68 = arith.cmpi sge, %iota3A, %ge3A_67 : vector<512x2816xi32>
    %lt3A_69 = arith.constant 1000 : i32
    %lt3A_70 = vector.broadcast %lt3A_69 : i32 to vector<512x2816xi32>
    %lt3A_71 = arith.cmpi slt, %iota3A, %lt3A_70 : vector<512x2816xi32>
    %and3A_72 = arith.andi %ge3A_68, %lt3A_71 : vector<512x2816xi1>
    %jit3A_73 = arith.constant 0x7F800000 : f32
    %broadcast_in_dim3A_74 = vector.broadcast %jit3A_73 : f32 to vector<512x2816xf32>
    %select_n3A_75 = arith.select %and3A_72, %sub3A, %broadcast_in_dim3A_74 : vector<512x2816xi1>, vector<512x2816xf32>
    %reduce_min3A_76 = arith.constant dense<0x7F800000> : vector<512xf32>
    %reduce_min3A_77 = vector.multi_reduction <minimumf>, %select_n3A_75, %reduce_min3A_76 [1] : vector<512x2816xf32> to vector<512xf32>
    %broadcast_in_dim3A_78 = vector.shape_cast %reduce_min3A_77 : vector<512xf32> to vector<512x1xf32>
    %eq3A_79 = vector.broadcast %broadcast_in_dim3A_78 : vector<512x1xf32> to vector<512x2816xf32>
    %eq3A_80 = arith.cmpf oeq, %select_n3A_75, %eq3A_79 : vector<512x2816xf32>
    %and3A_81 = arith.andi %and3A_72, %eq3A_80 : vector<512x2816xi1>
    %jit3A_82 = arith.constant 2147483647 : i32
    %broadcast_in_dim3A_83 = vector.broadcast %jit3A_82 : i32 to vector<512x2816xi32>
    %select_n3A_84 = arith.select %and3A_81, %iota3A, %broadcast_in_dim3A_83 : vector<512x2816xi1>, vector<512x2816xi32>
    %reduce_min3A_85 = arith.constant dense<2147483647> : vector<512xi32>
    %reduce_min3A_86 = vector.multi_reduction <minsi>, %select_n3A_84, %reduce_min3A_85 [1] : vector<512x2816xi32> to vector<512xi32>
    %broadcast_in_dim3A_87 = vector.shape_cast %reduce_min3A_86 : vector<512xi32> to vector<512x1xi32>
    %sub3A_88 = arith.constant 400 : i32
    %sub3A_89 = vector.broadcast %sub3A_88 : i32 to vector<512x1xi32>
    %sub3A_90 = arith.subi %broadcast_in_dim3A_87, %sub3A_89 : vector<512x1xi32>
    %jit3A_91 = arith.constant 3 : i32
    %div3A_92 = vector.broadcast %jit3A_91 : i32 to vector<512x1xi32>
    %div3A_93 = arith.divsi %sub3A_90, %div3A_92 : vector<512x1xi32>
    %sign3A_94 = arith.constant 0 : i32
    %sign3A_95 = vector.broadcast %sign3A_94 : i32 to vector<512x1xi32>
    %sign3A_96 = arith.cmpi sgt, %sub3A_90, %sign3A_95 : vector<512x1xi32>
    %sign3A_97 = arith.extui %sign3A_96 : vector<512x1xi1> to vector<512x1xi32>
    %sign3A_98 = arith.constant 0 : i32
    %sign3A_99 = vector.broadcast %sign3A_98 : i32 to vector<512x1xi32>
    %sign3A_100 = arith.cmpi slt, %sub3A_90, %sign3A_99 : vector<512x1xi32>
    %sign3A_101 = arith.extui %sign3A_100 : vector<512x1xi1> to vector<512x1xi32>
    %sign3A_102 = arith.subi %sign3A_97, %sign3A_101 : vector<512x1xi32>
    %sign3A_103 = arith.constant 0 : i32
    %sign3A_104 = arith.cmpi sgt, %jit3A_91, %sign3A_103 : i32
    %sign3A_105 = arith.extui %sign3A_104 : i1 to i32
    %sign3A_106 = arith.constant 0 : i32
    %sign3A_107 = arith.cmpi slt, %jit3A_91, %sign3A_106 : i32
    %sign3A_108 = arith.extui %sign3A_107 : i1 to i32
    %sign3A_109 = arith.subi %sign3A_105, %sign3A_108 : i32
    %ne3A_110 = vector.broadcast %sign3A_109 : i32 to vector<512x1xi32>
    %ne3A_111 = arith.cmpi ne, %sign3A_102, %ne3A_110 : vector<512x1xi32>
    %rem3A_112 = vector.broadcast %jit3A_91 : i32 to vector<512x1xi32>
    %rem3A_113 = arith.remsi %sub3A_90, %rem3A_112 : vector<512x1xi32>
    %ne3A_114 = arith.constant 0 : i32
    %ne3A_115 = vector.broadcast %ne3A_114 : i32 to vector<512x1xi32>
    %ne3A_116 = arith.cmpi ne, %rem3A_113, %ne3A_115 : vector<512x1xi32>
    %and3A_117 = arith.andi %ne3A_111, %ne3A_116 : vector<512x1xi1>
    %sub3A_118 = arith.constant 1 : i32
    %sub3A_119 = vector.broadcast %sub3A_118 : i32 to vector<512x1xi32>
    %sub3A_120 = arith.subi %div3A_93, %sub3A_119 : vector<512x1xi32>
    %select_n3A_121 = arith.select %and3A_117, %sub3A_120, %div3A_93 : vector<512x1xi1>, vector<512x1xi32>
    %eq3A_122 = vector.broadcast %select_n3A_121 : vector<512x1xi32> to vector<512x256xi32>
    %eq3A_123 = arith.cmpi eq, %eq3A_122, %iota3A_16 : vector<512x256xi32>
    %convert_element_type3A_124 = arith.extui %eq3A_123 : vector<512x256xi1> to vector<512x256xi32>
    %convert_element_type3A_125 = arith.sitofp %convert_element_type3A_124 : vector<512x256xi32> to vector<512x256xf32>
    %reduce_sum3A_126 = arith.constant dense<0.000000e+00> : vector<256xf32>
    %reduce_sum3A_127 = vector.multi_reduction <add>, %convert_element_type3A_125, %reduce_sum3A_126 [0] : vector<512x256xf32> to vector<256xf32>
    %broadcast_in_dim3A_128 = vector.shape_cast %reduce_sum3A_127 : vector<256xf32> to vector<1x256xf32>
    %ge3A_129 = arith.constant 1000 : i32
    %ge3A_130 = vector.broadcast %ge3A_129 : i32 to vector<512x2816xi32>
    %ge3A_131 = arith.cmpi sge, %iota3A, %ge3A_130 : vector<512x2816xi32>
    %lt3A_132 = arith.constant 1800 : i32
    %lt3A_133 = vector.broadcast %lt3A_132 : i32 to vector<512x2816xi32>
    %lt3A_134 = arith.cmpi slt, %iota3A, %lt3A_133 : vector<512x2816xi32>
    %and3A_135 = arith.andi %ge3A_131, %lt3A_134 : vector<512x2816xi1>
    %jit3A_136 = arith.constant 0x7F800000 : f32
    %broadcast_in_dim3A_137 = vector.broadcast %jit3A_136 : f32 to vector<512x2816xf32>
    %select_n3A_138 = arith.select %and3A_135, %sub3A, %broadcast_in_dim3A_137 : vector<512x2816xi1>, vector<512x2816xf32>
    %reduce_min3A_139 = arith.constant dense<0x7F800000> : vector<512xf32>
    %reduce_min3A_140 = vector.multi_reduction <minimumf>, %select_n3A_138, %reduce_min3A_139 [1] : vector<512x2816xf32> to vector<512xf32>
    %broadcast_in_dim3A_141 = vector.shape_cast %reduce_min3A_140 : vector<512xf32> to vector<512x1xf32>
    %eq3A_142 = vector.broadcast %broadcast_in_dim3A_141 : vector<512x1xf32> to vector<512x2816xf32>
    %eq3A_143 = arith.cmpf oeq, %select_n3A_138, %eq3A_142 : vector<512x2816xf32>
    %and3A_144 = arith.andi %and3A_135, %eq3A_143 : vector<512x2816xi1>
    %jit3A_145 = arith.constant 2147483647 : i32
    %broadcast_in_dim3A_146 = vector.broadcast %jit3A_145 : i32 to vector<512x2816xi32>
    %select_n3A_147 = arith.select %and3A_144, %iota3A, %broadcast_in_dim3A_146 : vector<512x2816xi1>, vector<512x2816xi32>
    %reduce_min3A_148 = arith.constant dense<2147483647> : vector<512xi32>
    %reduce_min3A_149 = vector.multi_reduction <minsi>, %select_n3A_147, %reduce_min3A_148 [1] : vector<512x2816xi32> to vector<512xi32>
    %broadcast_in_dim3A_150 = vector.shape_cast %reduce_min3A_149 : vector<512xi32> to vector<512x1xi32>
    %sub3A_151 = arith.constant 1000 : i32
    %sub3A_152 = vector.broadcast %sub3A_151 : i32 to vector<512x1xi32>
    %sub3A_153 = arith.subi %broadcast_in_dim3A_150, %sub3A_152 : vector<512x1xi32>
    %jit3A_154 = arith.constant 4 : i32
    %div3A_155 = vector.broadcast %jit3A_154 : i32 to vector<512x1xi32>
    %div3A_156 = arith.divsi %sub3A_153, %div3A_155 : vector<512x1xi32>
    %sign3A_157 = arith.constant 0 : i32
    %sign3A_158 = vector.broadcast %sign3A_157 : i32 to vector<512x1xi32>
    %sign3A_159 = arith.cmpi sgt, %sub3A_153, %sign3A_158 : vector<512x1xi32>
    %sign3A_160 = arith.extui %sign3A_159 : vector<512x1xi1> to vector<512x1xi32>
    %sign3A_161 = arith.constant 0 : i32
    %sign3A_162 = vector.broadcast %sign3A_161 : i32 to vector<512x1xi32>
    %sign3A_163 = arith.cmpi slt, %sub3A_153, %sign3A_162 : vector<512x1xi32>
    %sign3A_164 = arith.extui %sign3A_163 : vector<512x1xi1> to vector<512x1xi32>
    %sign3A_165 = arith.subi %sign3A_160, %sign3A_164 : vector<512x1xi32>
    %sign3A_166 = arith.constant 0 : i32
    %sign3A_167 = arith.cmpi sgt, %jit3A_154, %sign3A_166 : i32
    %sign3A_168 = arith.extui %sign3A_167 : i1 to i32
    %sign3A_169 = arith.constant 0 : i32
    %sign3A_170 = arith.cmpi slt, %jit3A_154, %sign3A_169 : i32
    %sign3A_171 = arith.extui %sign3A_170 : i1 to i32
    %sign3A_172 = arith.subi %sign3A_168, %sign3A_171 : i32
    %ne3A_173 = vector.broadcast %sign3A_172 : i32 to vector<512x1xi32>
    %ne3A_174 = arith.cmpi ne, %sign3A_165, %ne3A_173 : vector<512x1xi32>
    %rem3A_175 = vector.broadcast %jit3A_154 : i32 to vector<512x1xi32>
    %rem3A_176 = arith.remsi %sub3A_153, %rem3A_175 : vector<512x1xi32>
    %ne3A_177 = arith.constant 0 : i32
    %ne3A_178 = vector.broadcast %ne3A_177 : i32 to vector<512x1xi32>
    %ne3A_179 = arith.cmpi ne, %rem3A_176, %ne3A_178 : vector<512x1xi32>
    %and3A_180 = arith.andi %ne3A_174, %ne3A_179 : vector<512x1xi1>
    %sub3A_181 = arith.constant 1 : i32
    %sub3A_182 = vector.broadcast %sub3A_181 : i32 to vector<512x1xi32>
    %sub3A_183 = arith.subi %div3A_156, %sub3A_182 : vector<512x1xi32>
    %select_n3A_184 = arith.select %and3A_180, %sub3A_183, %div3A_156 : vector<512x1xi1>, vector<512x1xi32>
    %eq3A_185 = vector.broadcast %select_n3A_184 : vector<512x1xi32> to vector<512x256xi32>
    %eq3A_186 = arith.cmpi eq, %eq3A_185, %iota3A_16 : vector<512x256xi32>
    %convert_element_type3A_187 = arith.extui %eq3A_186 : vector<512x256xi1> to vector<512x256xi32>
    %convert_element_type3A_188 = arith.sitofp %convert_element_type3A_187 : vector<512x256xi32> to vector<512x256xf32>
    %reduce_sum3A_189 = arith.constant dense<0.000000e+00> : vector<256xf32>
    %reduce_sum3A_190 = vector.multi_reduction <add>, %convert_element_type3A_188, %reduce_sum3A_189 [0] : vector<512x256xf32> to vector<256xf32>
    %broadcast_in_dim3A_191 = vector.shape_cast %reduce_sum3A_190 : vector<256xf32> to vector<1x256xf32>
    %ge3A_192 = arith.constant 1800 : i32
    %ge3A_193 = vector.broadcast %ge3A_192 : i32 to vector<512x2816xi32>
    %ge3A_194 = arith.cmpi sge, %iota3A, %ge3A_193 : vector<512x2816xi32>
    %lt3A_195 = arith.constant 2800 : i32
    %lt3A_196 = vector.broadcast %lt3A_195 : i32 to vector<512x2816xi32>
    %lt3A_197 = arith.cmpi slt, %iota3A, %lt3A_196 : vector<512x2816xi32>
    %and3A_198 = arith.andi %ge3A_194, %lt3A_197 : vector<512x2816xi1>
    %jit3A_199 = arith.constant 0x7F800000 : f32
    %broadcast_in_dim3A_200 = vector.broadcast %jit3A_199 : f32 to vector<512x2816xf32>
    %select_n3A_201 = arith.select %and3A_198, %sub3A, %broadcast_in_dim3A_200 : vector<512x2816xi1>, vector<512x2816xf32>
    %reduce_min3A_202 = arith.constant dense<0x7F800000> : vector<512xf32>
    %reduce_min3A_203 = vector.multi_reduction <minimumf>, %select_n3A_201, %reduce_min3A_202 [1] : vector<512x2816xf32> to vector<512xf32>
    %broadcast_in_dim3A_204 = vector.shape_cast %reduce_min3A_203 : vector<512xf32> to vector<512x1xf32>
    %eq3A_205 = vector.broadcast %broadcast_in_dim3A_204 : vector<512x1xf32> to vector<512x2816xf32>
    %eq3A_206 = arith.cmpf oeq, %select_n3A_201, %eq3A_205 : vector<512x2816xf32>
    %and3A_207 = arith.andi %and3A_198, %eq3A_206 : vector<512x2816xi1>
    %jit3A_208 = arith.constant 2147483647 : i32
    %broadcast_in_dim3A_209 = vector.broadcast %jit3A_208 : i32 to vector<512x2816xi32>
    %select_n3A_210 = arith.select %and3A_207, %iota3A, %broadcast_in_dim3A_209 : vector<512x2816xi1>, vector<512x2816xi32>
    %reduce_min3A_211 = arith.constant dense<2147483647> : vector<512xi32>
    %reduce_min3A_212 = vector.multi_reduction <minsi>, %select_n3A_210, %reduce_min3A_211 [1] : vector<512x2816xi32> to vector<512xi32>
    %broadcast_in_dim3A_213 = vector.shape_cast %reduce_min3A_212 : vector<512xi32> to vector<512x1xi32>
    %sub3A_214 = arith.constant 1800 : i32
    %sub3A_215 = vector.broadcast %sub3A_214 : i32 to vector<512x1xi32>
    %sub3A_216 = arith.subi %broadcast_in_dim3A_213, %sub3A_215 : vector<512x1xi32>
    %jit3A_217 = arith.constant 5 : i32
    %div3A_218 = vector.broadcast %jit3A_217 : i32 to vector<512x1xi32>
    %div3A_219 = arith.divsi %sub3A_216, %div3A_218 : vector<512x1xi32>
    %sign3A_220 = arith.constant 0 : i32
    %sign3A_221 = vector.broadcast %sign3A_220 : i32 to vector<512x1xi32>
    %sign3A_222 = arith.cmpi sgt, %sub3A_216, %sign3A_221 : vector<512x1xi32>
    %sign3A_223 = arith.extui %sign3A_222 : vector<512x1xi1> to vector<512x1xi32>
    %sign3A_224 = arith.constant 0 : i32
    %sign3A_225 = vector.broadcast %sign3A_224 : i32 to vector<512x1xi32>
    %sign3A_226 = arith.cmpi slt, %sub3A_216, %sign3A_225 : vector<512x1xi32>
    %sign3A_227 = arith.extui %sign3A_226 : vector<512x1xi1> to vector<512x1xi32>
    %sign3A_228 = arith.subi %sign3A_223, %sign3A_227 : vector<512x1xi32>
    %sign3A_229 = arith.constant 0 : i32
    %sign3A_230 = arith.cmpi sgt, %jit3A_217, %sign3A_229 : i32
    %sign3A_231 = arith.extui %sign3A_230 : i1 to i32
    %sign3A_232 = arith.constant 0 : i32
    %sign3A_233 = arith.cmpi slt, %jit3A_217, %sign3A_232 : i32
    %sign3A_234 = arith.extui %sign3A_233 : i1 to i32
    %sign3A_235 = arith.subi %sign3A_231, %sign3A_234 : i32
    %ne3A_236 = vector.broadcast %sign3A_235 : i32 to vector<512x1xi32>
    %ne3A_237 = arith.cmpi ne, %sign3A_228, %ne3A_236 : vector<512x1xi32>
    %rem3A_238 = vector.broadcast %jit3A_217 : i32 to vector<512x1xi32>
    %rem3A_239 = arith.remsi %sub3A_216, %rem3A_238 : vector<512x1xi32>
    %ne3A_240 = arith.constant 0 : i32
    %ne3A_241 = vector.broadcast %ne3A_240 : i32 to vector<512x1xi32>
    %ne3A_242 = arith.cmpi ne, %rem3A_239, %ne3A_241 : vector<512x1xi32>
    %and3A_243 = arith.andi %ne3A_237, %ne3A_242 : vector<512x1xi1>
    %sub3A_244 = arith.constant 1 : i32
    %sub3A_245 = vector.broadcast %sub3A_244 : i32 to vector<512x1xi32>
    %sub3A_246 = arith.subi %div3A_219, %sub3A_245 : vector<512x1xi32>
    %select_n3A_247 = arith.select %and3A_243, %sub3A_246, %div3A_219 : vector<512x1xi1>, vector<512x1xi32>
    %eq3A_248 = vector.broadcast %select_n3A_247 : vector<512x1xi32> to vector<512x256xi32>
    %eq3A_249 = arith.cmpi eq, %eq3A_248, %iota3A_16 : vector<512x256xi32>
    %convert_element_type3A_250 = arith.extui %eq3A_249 : vector<512x256xi1> to vector<512x256xi32>
    %convert_element_type3A_251 = arith.sitofp %convert_element_type3A_250 : vector<512x256xi32> to vector<512x256xf32>
    %reduce_sum3A_252 = arith.constant dense<0.000000e+00> : vector<256xf32>
    %reduce_sum3A_253 = vector.multi_reduction <add>, %convert_element_type3A_251, %reduce_sum3A_252 [0] : vector<512x256xf32> to vector<256xf32>
    %broadcast_in_dim3A_254 = vector.shape_cast %reduce_sum3A_253 : vector<256xf32> to vector<1x256xf32>
    %concatenate3A = tpu.concatenate %broadcast_in_dim3A_30, %broadcast_in_dim3A_87, %broadcast_in_dim3A_150, %broadcast_in_dim3A_213, %broadcast_in_dim3A_30, %broadcast_in_dim3A_87, %broadcast_in_dim3A_150, %broadcast_in_dim3A_213 in 1 : vector<512x1xi32>, vector<512x1xi32>, vector<512x1xi32>, vector<512x1xi32>, vector<512x1xi32>, vector<512x1xi32>, vector<512x1xi32>, vector<512x1xi32> -> vector<512x8xi32>
    %swap3A = arith.constant 0 : index
    %swap3A_255 = arith.constant 0 : index
    %swap3A_256 = vector.load %arg5[%swap3A, %swap3A_255] : memref<512x8xi32, #tpu.memory_space<vmem>>, vector<512x8xi32>
    tpu.vector_store %arg5[%swap3A, %swap3A_255], %concatenate3A {strides = array<i32>} : memref<512x8xi32, #tpu.memory_space<vmem>>, vector<512x8xi32>,
    %concatenate3A_257 = tpu.concatenate %select_n3A_60, %select_n3A_121, %select_n3A_184, %select_n3A_247 in 1 : vector<512x1xi32>, vector<512x1xi32>, vector<512x1xi32>, vector<512x1xi32> -> vector<512x4xi32>
    %swap3A_258 = arith.constant 0 : index
    %swap3A_259 = arith.constant 0 : index
    %swap3A_260 = vector.load %arg6[%swap3A_258, %swap3A_259] : memref<512x4xi32, #tpu.memory_space<vmem>>, vector<512x4xi32>
    tpu.vector_store %arg6[%swap3A_258, %swap3A_259], %concatenate3A_257 {strides = array<i32>} : memref<512x4xi32, #tpu.memory_space<vmem>>, vector<512x4xi32>,
    %concatenate3A_261 = tpu.concatenate %broadcast_in_dim3A_22, %broadcast_in_dim3A_78, %broadcast_in_dim3A_141, %broadcast_in_dim3A_204 in 1 : vector<512x1xf32>, vector<512x1xf32>, vector<512x1xf32>, vector<512x1xf32> -> vector<512x4xf32>
    %reduce_sum3A_262 = arith.constant dense<0.000000e+00> : vector<4xf32>
    %reduce_sum3A_263 = vector.multi_reduction <add>, %concatenate3A_261, %reduce_sum3A_262 [0] : vector<512x4xf32> to vector<4xf32>
    %broadcast_in_dim3A_264 = vector.shape_cast %reduce_sum3A_263 : vector<4xf32> to vector<1x4xf32>
    %reshape3A = vector.shape_cast %broadcast_in_dim3A_264 : vector<1x4xf32> to vector<1x1x4xf32>
    %swap3A_265 = arith.constant 0 : index
    %swap3A_266 = arith.constant 0 : index
    %swap3A_267 = arith.constant 0 : index
    %swap3A_268 = vector.load %arg7[%swap3A_265, %swap3A_266, %swap3A_267] : memref<1x1x4xf32, #tpu.memory_space<vmem>>, vector<1x1x4xf32>
    tpu.vector_store %arg7[%swap3A_265, %swap3A_266, %swap3A_267], %reshape3A {strides = array<i32>} : memref<1x1x4xf32, #tpu.memory_space<vmem>>, vector<1x1x4xf32>,
    %eq3A_269 = arith.constant 0 : i32
    %eq3A_270 = arith.cmpi eq, %arg0, %eq3A_269 : i32
    %convert_element_type3A_271 = arith.extui %eq3A_270 : i1 to i32
    %cond3A = arith.constant 0 : i32
    %cond3A_272 = arith.cmpi ne, %convert_element_type3A_271, %cond3A : i32
    scf.if %cond3A_272 {
      %broadcast_in_dim3A_281 = arith.constant 0.000000e+00 : f32
      %broadcast_in_dim3A_282 = vector.broadcast %broadcast_in_dim3A_281 : f32 to vector<4x256xf32>
      %swap3A_283 = arith.constant 0 : index
      %swap3A_284 = arith.constant 0 : index
      %swap3A_285 = vector.load %arg8[%swap3A_283, %swap3A_284] : memref<4x256xf32, #tpu.memory_space<vmem>>, vector<4x256xf32>
      tpu.vector_store %arg8[%swap3A_283, %swap3A_284], %broadcast_in_dim3A_282 {strides = array<i32>} : memref<4x256xf32, #tpu.memory_space<vmem>>, vector<4x256xf32>,
    } else {
    }
    %get3A_273 = arith.constant 0 : index
    %get3A_274 = arith.constant 0 : index
    %get3A_275 = vector.load %arg8[%get3A_273, %get3A_274] : memref<4x256xf32, #tpu.memory_space<vmem>>, vector<4x256xf32>
    %concatenate3A_276 = tpu.concatenate %broadcast_in_dim3A_65, %broadcast_in_dim3A_128, %broadcast_in_dim3A_191, %broadcast_in_dim3A_254 in 0 : vector<1x256xf32>, vector<1x256xf32>, vector<1x256xf32>, vector<1x256xf32> -> vector<4x256xf32>
    %add3A_277 = arith.addf %get3A_275, %concatenate3A_276 : vector<4x256xf32>
    %swap3A_278 = arith.constant 0 : index
    %swap3A_279 = arith.constant 0 : index
    %swap3A_280 = vector.load %arg8[%swap3A_278, %swap3A_279] : memref<4x256xf32, #tpu.memory_space<vmem>>, vector<4x256xf32>
    tpu.vector_store %arg8[%swap3A_278, %swap3A_279], %add3A_277 {strides = array<i32>} : memref<4x256xf32, #tpu.memory_space<vmem>>, vector<4x256xf32>,
    return
  }
  func.func @transform_0(%arg0: i32) -> (i32, i32) {
    %c0_i32 = arith.constant 0 : i32
    %c0_i32_0 = arith.constant 0 : i32
    return %arg0, %c0_i32 : i32, i32
  }
  func.func @transform_1(%arg0: i32) -> (i32, i32) {
    %c0_i32 = arith.constant 0 : i32
    %c0_i32_0 = arith.constant 0 : i32
    return %arg0, %c0_i32 : i32, i32
  }
  func.func @transform_2(%arg0: i32) -> (i32, i32) {
    %c0_i32 = arith.constant 0 : i32
    %c0_i32_0 = arith.constant 0 : i32
    %c0_i32_1 = arith.constant 0 : i32
    return %c0_i32, %c0_i32_0 : i32, i32
  }
  func.func @transform_3(%arg0: i32) -> (i32, i32) {
    %c0_i32 = arith.constant 0 : i32
    %c0_i32_0 = arith.constant 0 : i32
    %c0_i32_1 = arith.constant 0 : i32
    return %c0_i32, %c0_i32_0 : i32, i32
  }
  func.func @transform_4(%arg0: i32) -> (i32, i32) {
    %c0_i32 = arith.constant 0 : i32
    %c0_i32_0 = arith.constant 0 : i32
    return %arg0, %c0_i32 : i32, i32
  }
  func.func @transform_5(%arg0: i32) -> (i32, i32) {
    %c0_i32 = arith.constant 0 : i32
    %c0_i32_0 = arith.constant 0 : i32
    return %arg0, %c0_i32 : i32, i32
  }
  func.func @transform_6(%arg0: i32) -> (i32, i32, i32) {
    %c0_i32 = arith.constant 0 : i32
    %c0_i32_0 = arith.constant 0 : i32
    %c0_i32_1 = arith.constant 0 : i32
    return %arg0, %c0_i32, %c0_i32_0 : i32, i32, i32
  }
  func.func @transform_7(%arg0: i32) -> (i32, i32) {
    %c0_i32 = arith.constant 0 : i32
    %c0_i32_0 = arith.constant 0 : i32
    %c0_i32_1 = arith.constant 0 : i32
    return %c0_i32, %c0_i32_0 : i32, i32
  }
}

module attributes {stable_mosaic.version = 14 : i64} {
  func.func @_loss_kernel(%arg0: i32, %arg1: memref<704x1024xf32, #tpu.memory_space<vmem>>, %arg2: memref<1024x1xf32, #tpu.memory_space<vmem>>, %arg3: memref<4x1x4xf32, #tpu.memory_space<vmem>>, %arg4: memref<1x1xf32, #tpu.memory_space<vmem>>, %arg5: memref<1024x1024xf32, #tpu.memory_space<vmem>>, %arg6: memref<16x1024xf32, #tpu.memory_space<vmem>>, %arg7: memref<16x1024xf32, #tpu.memory_space<vmem>>) attributes {dimension_semantics = [#tpu.dimension_semantics<arbitrary>], iteration_bounds = array<i64: 4>, scalar_prefetch = 0 : i64, scratch_operands = 3 : i64, tpu.core_type = #tpu.core_type<tc>, window_params = [{transform_indices = @transform_0, window_bounds = array<i64: 704, 1024>}, {pipeline_mode = #tpu.pipeline_mode<synchronous>, transform_indices = @transform_1, window_bounds = array<i64: 1024, 1>}, {pipeline_mode = #tpu.pipeline_mode<synchronous>, transform_indices = @transform_2, window_bounds = array<i64: 4, 1, 4>}, {pipeline_mode = #tpu.pipeline_mode<synchronous>, transform_indices = @transform_3, window_bounds = array<i64: 1, 1>}]} {
    %eq3A = arith.constant 0 : i32
    %eq3A_0 = arith.cmpi eq, %arg0, %eq3A : i32
    %convert_element_type3A = arith.extui %eq3A_0 : i1 to i32
    %cond3A = arith.constant 0 : i32
    %cond3A_1 = arith.cmpi ne, %convert_element_type3A, %cond3A : i32
    scf.if %cond3A_1 {
      %broadcast_in_dim3A_200 = arith.constant 0.000000e+00 : f32
      %broadcast_in_dim3A_201 = vector.broadcast %broadcast_in_dim3A_200 : f32 to vector<1024x1024xf32>
      %swap3A_202 = arith.constant 0 : index
      %swap3A_203 = arith.constant 0 : index
      %swap3A_204 = vector.load %arg5[%swap3A_202, %swap3A_203] : memref<1024x1024xf32, #tpu.memory_space<vmem>>, vector<1024x1024xf32>
      tpu.vector_store %arg5[%swap3A_202, %swap3A_203], %broadcast_in_dim3A_201 {strides = array<i32>} : memref<1024x1024xf32, #tpu.memory_space<vmem>>, vector<1024x1024xf32>,
      %broadcast_in_dim3A_205 = arith.constant 0.000000e+00 : f32
      %broadcast_in_dim3A_206 = vector.broadcast %broadcast_in_dim3A_205 : f32 to vector<16x1024xf32>
      %swap3A_207 = arith.constant 0 : index
      %swap3A_208 = arith.constant 0 : index
      %swap3A_209 = vector.load %arg6[%swap3A_207, %swap3A_208] : memref<16x1024xf32, #tpu.memory_space<vmem>>, vector<16x1024xf32>
      tpu.vector_store %arg6[%swap3A_207, %swap3A_208], %broadcast_in_dim3A_206 {strides = array<i32>} : memref<16x1024xf32, #tpu.memory_space<vmem>>, vector<16x1024xf32>,
      %broadcast_in_dim3A_210 = arith.constant 0.000000e+00 : f32
      %broadcast_in_dim3A_211 = vector.broadcast %broadcast_in_dim3A_210 : f32 to vector<16x1024xf32>
      %swap3A_212 = arith.constant 0 : index
      %swap3A_213 = arith.constant 0 : index
      %swap3A_214 = vector.load %arg7[%swap3A_212, %swap3A_213] : memref<16x1024xf32, #tpu.memory_space<vmem>>, vector<16x1024xf32>
      tpu.vector_store %arg7[%swap3A_212, %swap3A_213], %broadcast_in_dim3A_211 {strides = array<i32>} : memref<16x1024xf32, #tpu.memory_space<vmem>>, vector<16x1024xf32>,
    } else {
    }
    %get3A = arith.constant 0 : index
    %get3A_2 = arith.constant 0 : index
    %get3A_3 = vector.load %arg1[%get3A, %get3A_2] : memref<704x1024xf32, #tpu.memory_space<vmem>>, vector<704x1024xf32>
    %iota3A = tpu.iota {dimensions = array<i32: 0>} : vector<704x256xi32>
    %mul3A = arith.constant 704 : i32
    %mul3A_4 = arith.muli %arg0, %mul3A : i32
    %add3A = vector.broadcast %mul3A_4 : i32 to vector<704x256xi32>
    %add3A_5 = arith.addi %iota3A, %add3A : vector<704x256xi32>
    %iota3A_6 = tpu.iota {dimensions = array<i32: 1>} : vector<704x256xi32>
    %sub3A = arith.constant 0 : i32
    %sub3A_7 = vector.broadcast %sub3A : i32 to vector<704x256xi32>
    %sub3A_8 = arith.subi %add3A_5, %sub3A_7 : vector<704x256xi32>
    %mul3A_9 = arith.constant 2 : i32
    %mul3A_10 = vector.broadcast %mul3A_9 : i32 to vector<704x256xi32>
    %mul3A_11 = arith.muli %iota3A_6, %mul3A_10 : vector<704x256xi32>
    %sub3A_12 = arith.subi %sub3A_8, %mul3A_11 : vector<704x256xi32>
    %ge3A = arith.constant 0 : i32
    %ge3A_13 = vector.broadcast %ge3A : i32 to vector<704x256xi32>
    %ge3A_14 = arith.cmpi sge, %sub3A_12, %ge3A_13 : vector<704x256xi32>
    %lt3A = arith.constant 2 : i32
    %lt3A_15 = vector.broadcast %lt3A : i32 to vector<704x256xi32>
    %lt3A_16 = arith.cmpi slt, %sub3A_12, %lt3A_15 : vector<704x256xi32>
    %and3A = arith.andi %ge3A_14, %lt3A_16 : vector<704x256xi1>
    %jit3A = arith.constant 1.000000e+00 : f32
    %jit3A_17 = arith.constant 0.000000e+00 : f32
    %broadcast_in_dim3A = vector.broadcast %jit3A : f32 to vector<704x256xf32>
    %broadcast_in_dim3A_18 = vector.broadcast %jit3A_17 : f32 to vector<704x256xf32>
    %select_n3A = arith.select %and3A, %broadcast_in_dim3A, %broadcast_in_dim3A_18 : vector<704x256xi1>, vector<704x256xf32>
    %sub3A_19 = arith.constant 400 : i32
    %sub3A_20 = vector.broadcast %sub3A_19 : i32 to vector<704x256xi32>
    %sub3A_21 = arith.subi %add3A_5, %sub3A_20 : vector<704x256xi32>
    %mul3A_22 = arith.constant 3 : i32
    %mul3A_23 = vector.broadcast %mul3A_22 : i32 to vector<704x256xi32>
    %mul3A_24 = arith.muli %iota3A_6, %mul3A_23 : vector<704x256xi32>
    %sub3A_25 = arith.subi %sub3A_21, %mul3A_24 : vector<704x256xi32>
    %ge3A_26 = arith.constant 0 : i32
    %ge3A_27 = vector.broadcast %ge3A_26 : i32 to vector<704x256xi32>
    %ge3A_28 = arith.cmpi sge, %sub3A_25, %ge3A_27 : vector<704x256xi32>
    %lt3A_29 = arith.constant 3 : i32
    %lt3A_30 = vector.broadcast %lt3A_29 : i32 to vector<704x256xi32>
    %lt3A_31 = arith.cmpi slt, %sub3A_25, %lt3A_30 : vector<704x256xi32>
    %and3A_32 = arith.andi %ge3A_28, %lt3A_31 : vector<704x256xi1>
    %jit3A_33 = arith.constant 1.000000e+00 : f32
    %jit3A_34 = arith.constant 0.000000e+00 : f32
    %broadcast_in_dim3A_35 = vector.broadcast %jit3A_33 : f32 to vector<704x256xf32>
    %broadcast_in_dim3A_36 = vector.broadcast %jit3A_34 : f32 to vector<704x256xf32>
    %select_n3A_37 = arith.select %and3A_32, %broadcast_in_dim3A_35, %broadcast_in_dim3A_36 : vector<704x256xi1>, vector<704x256xf32>
    %sub3A_38 = arith.constant 1000 : i32
    %sub3A_39 = vector.broadcast %sub3A_38 : i32 to vector<704x256xi32>
    %sub3A_40 = arith.subi %add3A_5, %sub3A_39 : vector<704x256xi32>
    %mul3A_41 = arith.constant 4 : i32
    %mul3A_42 = vector.broadcast %mul3A_41 : i32 to vector<704x256xi32>
    %mul3A_43 = arith.muli %iota3A_6, %mul3A_42 : vector<704x256xi32>
    %sub3A_44 = arith.subi %sub3A_40, %mul3A_43 : vector<704x256xi32>
    %ge3A_45 = arith.constant 0 : i32
    %ge3A_46 = vector.broadcast %ge3A_45 : i32 to vector<704x256xi32>
    %ge3A_47 = arith.cmpi sge, %sub3A_44, %ge3A_46 : vector<704x256xi32>
    %lt3A_48 = arith.constant 4 : i32
    %lt3A_49 = vector.broadcast %lt3A_48 : i32 to vector<704x256xi32>
    %lt3A_50 = arith.cmpi slt, %sub3A_44, %lt3A_49 : vector<704x256xi32>
    %and3A_51 = arith.andi %ge3A_47, %lt3A_50 : vector<704x256xi1>
    %jit3A_52 = arith.constant 1.000000e+00 : f32
    %jit3A_53 = arith.constant 0.000000e+00 : f32
    %broadcast_in_dim3A_54 = vector.broadcast %jit3A_52 : f32 to vector<704x256xf32>
    %broadcast_in_dim3A_55 = vector.broadcast %jit3A_53 : f32 to vector<704x256xf32>
    %select_n3A_56 = arith.select %and3A_51, %broadcast_in_dim3A_54, %broadcast_in_dim3A_55 : vector<704x256xi1>, vector<704x256xf32>
    %sub3A_57 = arith.constant 1800 : i32
    %sub3A_58 = vector.broadcast %sub3A_57 : i32 to vector<704x256xi32>
    %sub3A_59 = arith.subi %add3A_5, %sub3A_58 : vector<704x256xi32>
    %mul3A_60 = arith.constant 5 : i32
    %mul3A_61 = vector.broadcast %mul3A_60 : i32 to vector<704x256xi32>
    %mul3A_62 = arith.muli %iota3A_6, %mul3A_61 : vector<704x256xi32>
    %sub3A_63 = arith.subi %sub3A_59, %mul3A_62 : vector<704x256xi32>
    %ge3A_64 = arith.constant 0 : i32
    %ge3A_65 = vector.broadcast %ge3A_64 : i32 to vector<704x256xi32>
    %ge3A_66 = arith.cmpi sge, %sub3A_63, %ge3A_65 : vector<704x256xi32>
    %lt3A_67 = arith.constant 5 : i32
    %lt3A_68 = vector.broadcast %lt3A_67 : i32 to vector<704x256xi32>
    %lt3A_69 = arith.cmpi slt, %sub3A_63, %lt3A_68 : vector<704x256xi32>
    %and3A_70 = arith.andi %ge3A_66, %lt3A_69 : vector<704x256xi1>
    %jit3A_71 = arith.constant 1.000000e+00 : f32
    %jit3A_72 = arith.constant 0.000000e+00 : f32
    %broadcast_in_dim3A_73 = vector.broadcast %jit3A_71 : f32 to vector<704x256xf32>
    %broadcast_in_dim3A_74 = vector.broadcast %jit3A_72 : f32 to vector<704x256xf32>
    %select_n3A_75 = arith.select %and3A_70, %broadcast_in_dim3A_73, %broadcast_in_dim3A_74 : vector<704x256xi1>, vector<704x256xf32>
    %concatenate3A = tpu.concatenate %select_n3A, %select_n3A_37, %select_n3A_56, %select_n3A_75 in 1 : vector<704x256xf32>, vector<704x256xf32>, vector<704x256xf32>, vector<704x256xf32> -> vector<704x1024xf32>
    %get3A_76 = arith.constant 0 : index
    %get3A_77 = arith.constant 0 : index
    %get3A_78 = vector.load %arg2[%get3A_76, %get3A_77] : memref<1024x1xf32, #tpu.memory_space<vmem>>, vector<1024x1xf32>
    %dot_general3A = arith.constant dense<0.000000e+00> : vector<704x1xf32>
    %dot_general3A_79 = tpu.matmul %concatenate3A, %get3A_78, %dot_general3A {dimension_numbers = #tpu.dot_dimension_numbers<[1], [0], [0], [1], [0, 0, 1, 1], [], []>, precision = #tpu.contract_precision<fp32>, transpose_lhs_hint = false} : vector<704x1024xf32>, vector<1024x1xf32>, vector<704x1xf32> -> vector<704x1xf32>
    %mul3A_80 = vector.broadcast %dot_general3A_79 : vector<704x1xf32> to vector<704x1024xf32>
    %mul3A_81 = arith.mulf %get3A_3, %mul3A_80 : vector<704x1024xf32>
    %get3A_82 = arith.constant 0 : index
    %get3A_83 = arith.constant 0 : index
    %get3A_84 = vector.load %arg5[%get3A_82, %get3A_83] : memref<1024x1024xf32, #tpu.memory_space<vmem>>, vector<1024x1024xf32>
    %dot_general3A_85 = arith.constant dense<0.000000e+00> : vector<1024x1024xf32>
    %dot_general3A_86 = tpu.matmul %get3A_3, %mul3A_81, %dot_general3A_85 {dimension_numbers = #tpu.dot_dimension_numbers<[0], [0], [1], [1], [0, 1, 1, 1], [], []>, transpose_lhs_hint = false} : vector<704x1024xf32>, vector<704x1024xf32>, vector<1024x1024xf32> -> vector<1024x1024xf32>
    %add3A_87 = arith.addf %get3A_84, %dot_general3A_86 : vector<1024x1024xf32>
    %swap3A = arith.constant 0 : index
    %swap3A_88 = arith.constant 0 : index
    %swap3A_89 = vector.load %arg5[%swap3A, %swap3A_88] : memref<1024x1024xf32, #tpu.memory_space<vmem>>, vector<1024x1024xf32>
    tpu.vector_store %arg5[%swap3A, %swap3A_88], %add3A_87 {strides = array<i32>} : memref<1024x1024xf32, #tpu.memory_space<vmem>>, vector<1024x1024xf32>,
    %iota3A_90 = tpu.iota {dimensions = array<i32: 0>} : vector<16x704xi32>
    %iota3A_91 = tpu.iota {dimensions = array<i32: 1>} : vector<16x704xi32>
    %mul3A_92 = arith.constant 704 : i32
    %mul3A_93 = arith.muli %arg0, %mul3A_92 : i32
    %add3A_94 = vector.broadcast %mul3A_93 : i32 to vector<16x704xi32>
    %add3A_95 = arith.addi %iota3A_91, %add3A_94 : vector<16x704xi32>
    %lt3A_96 = arith.constant 2 : i32
    %lt3A_97 = vector.broadcast %lt3A_96 : i32 to vector<16x704xi32>
    %lt3A_98 = arith.cmpi slt, %iota3A_90, %lt3A_97 : vector<16x704xi32>
    %lt3A_99 = arith.constant 5 : i32
    %lt3A_100 = vector.broadcast %lt3A_99 : i32 to vector<16x704xi32>
    %lt3A_101 = arith.cmpi slt, %iota3A_90, %lt3A_100 : vector<16x704xi32>
    %lt3A_102 = arith.constant 9 : i32
    %lt3A_103 = vector.broadcast %lt3A_102 : i32 to vector<16x704xi32>
    %lt3A_104 = arith.cmpi slt, %iota3A_90, %lt3A_103 : vector<16x704xi32>
    %jit3A_105 = arith.constant 1000 : i32
    %jit3A_106 = arith.constant 1800 : i32
    %broadcast_in_dim3A_107 = vector.broadcast %jit3A_105 : i32 to vector<16x704xi32>
    %broadcast_in_dim3A_108 = vector.broadcast %jit3A_106 : i32 to vector<16x704xi32>
    %select_n3A_109 = arith.select %lt3A_104, %broadcast_in_dim3A_107, %broadcast_in_dim3A_108 : vector<16x704xi1>, vector<16x704xi32>
    %jit3A_110 = arith.constant 400 : i32
    %broadcast_in_dim3A_111 = vector.broadcast %jit3A_110 : i32 to vector<16x704xi32>
    %select_n3A_112 = arith.select %lt3A_101, %broadcast_in_dim3A_111, %select_n3A_109 : vector<16x704xi1>, vector<16x704xi32>
    %jit3A_113 = arith.constant 0 : i32
    %broadcast_in_dim3A_114 = vector.broadcast %jit3A_113 : i32 to vector<16x704xi32>
    %select_n3A_115 = arith.select %lt3A_98, %broadcast_in_dim3A_114, %select_n3A_112 : vector<16x704xi1>, vector<16x704xi32>
    %lt3A_116 = arith.constant 2 : i32
    %lt3A_117 = vector.broadcast %lt3A_116 : i32 to vector<16x704xi32>
    %lt3A_118 = arith.cmpi slt, %iota3A_90, %lt3A_117 : vector<16x704xi32>
    %lt3A_119 = arith.constant 5 : i32
    %lt3A_120 = vector.broadcast %lt3A_119 : i32 to vector<16x704xi32>
    %lt3A_121 = arith.cmpi slt, %iota3A_90, %lt3A_120 : vector<16x704xi32>
    %lt3A_122 = arith.constant 9 : i32
    %lt3A_123 = vector.broadcast %lt3A_122 : i32 to vector<16x704xi32>
    %lt3A_124 = arith.cmpi slt, %iota3A_90, %lt3A_123 : vector<16x704xi32>
    %jit3A_125 = arith.constant 4 : i32
    %jit3A_126 = arith.constant 5 : i32
    %broadcast_in_dim3A_127 = vector.broadcast %jit3A_125 : i32 to vector<16x704xi32>
    %broadcast_in_dim3A_128 = vector.broadcast %jit3A_126 : i32 to vector<16x704xi32>
    %select_n3A_129 = arith.select %lt3A_124, %broadcast_in_dim3A_127, %broadcast_in_dim3A_128 : vector<16x704xi1>, vector<16x704xi32>
    %jit3A_130 = arith.constant 3 : i32
    %broadcast_in_dim3A_131 = vector.broadcast %jit3A_130 : i32 to vector<16x704xi32>
    %select_n3A_132 = arith.select %lt3A_121, %broadcast_in_dim3A_131, %select_n3A_129 : vector<16x704xi1>, vector<16x704xi32>
    %jit3A_133 = arith.constant 2 : i32
    %broadcast_in_dim3A_134 = vector.broadcast %jit3A_133 : i32 to vector<16x704xi32>
    %select_n3A_135 = arith.select %lt3A_118, %broadcast_in_dim3A_134, %select_n3A_132 : vector<16x704xi1>, vector<16x704xi32>
    %lt3A_136 = arith.constant 2 : i32
    %lt3A_137 = vector.broadcast %lt3A_136 : i32 to vector<16x704xi32>
    %lt3A_138 = arith.cmpi slt, %iota3A_90, %lt3A_137 : vector<16x704xi32>
    %lt3A_139 = arith.constant 5 : i32
    %lt3A_140 = vector.broadcast %lt3A_139 : i32 to vector<16x704xi32>
    %lt3A_141 = arith.cmpi slt, %iota3A_90, %lt3A_140 : vector<16x704xi32>
    %lt3A_142 = arith.constant 9 : i32
    %lt3A_143 = vector.broadcast %lt3A_142 : i32 to vector<16x704xi32>
    %lt3A_144 = arith.cmpi slt, %iota3A_90, %lt3A_143 : vector<16x704xi32>
    %jit3A_145 = arith.constant 5 : i32
    %jit3A_146 = arith.constant 9 : i32
    %broadcast_in_dim3A_147 = vector.broadcast %jit3A_145 : i32 to vector<16x704xi32>
    %broadcast_in_dim3A_148 = vector.broadcast %jit3A_146 : i32 to vector<16x704xi32>
    %select_n3A_149 = arith.select %lt3A_144, %broadcast_in_dim3A_147, %broadcast_in_dim3A_148 : vector<16x704xi1>, vector<16x704xi32>
    %jit3A_150 = arith.constant 2 : i32
    %broadcast_in_dim3A_151 = vector.broadcast %jit3A_150 : i32 to vector<16x704xi32>
    %select_n3A_152 = arith.select %lt3A_141, %broadcast_in_dim3A_151, %select_n3A_149 : vector<16x704xi1>, vector<16x704xi32>
    %jit3A_153 = arith.constant 0 : i32
    %broadcast_in_dim3A_154 = vector.broadcast %jit3A_153 : i32 to vector<16x704xi32>
    %select_n3A_155 = arith.select %lt3A_138, %broadcast_in_dim3A_154, %select_n3A_152 : vector<16x704xi1>, vector<16x704xi32>
    %lt3A_156 = arith.constant 14 : i32
    %lt3A_157 = vector.broadcast %lt3A_156 : i32 to vector<16x704xi32>
    %lt3A_158 = arith.cmpi slt, %iota3A_90, %lt3A_157 : vector<16x704xi32>
    %ge3A_159 = arith.cmpi sge, %add3A_95, %select_n3A_115 : vector<16x704xi32>
    %and3A_160 = arith.andi %lt3A_158, %ge3A_159 : vector<16x704xi1>
    %mul3A_161 = arith.constant 200 : i32
    %mul3A_162 = vector.broadcast %mul3A_161 : i32 to vector<16x704xi32>
    %mul3A_163 = arith.muli %mul3A_162, %select_n3A_135 : vector<16x704xi32>
    %add3A_164 = arith.addi %select_n3A_115, %mul3A_163 : vector<16x704xi32>
    %lt3A_165 = arith.cmpi slt, %add3A_95, %add3A_164 : vector<16x704xi32>
    %and3A_166 = arith.andi %and3A_160, %lt3A_165 : vector<16x704xi1>
    %sub3A_167 = arith.subi %add3A_95, %select_n3A_115 : vector<16x704xi32>
    %rem3A = arith.remsi %sub3A_167, %select_n3A_135 : vector<16x704xi32>
    %sub3A_168 = arith.subi %iota3A_90, %select_n3A_155 : vector<16x704xi32>
    %eq3A_169 = arith.cmpi eq, %rem3A, %sub3A_168 : vector<16x704xi32>
    %and3A_170 = arith.andi %and3A_166, %eq3A_169 : vector<16x704xi1>
    %jit3A_171 = arith.constant 1.000000e+00 : f32
    %jit3A_172 = arith.constant 0.000000e+00 : f32
    %broadcast_in_dim3A_173 = vector.broadcast %jit3A_171 : f32 to vector<16x704xf32>
    %broadcast_in_dim3A_174 = vector.broadcast %jit3A_172 : f32 to vector<16x704xf32>
    %select_n3A_175 = arith.select %and3A_170, %broadcast_in_dim3A_173, %broadcast_in_dim3A_174 : vector<16x704xi1>, vector<16x704xf32>
    %get3A_176 = arith.constant 0 : index
    %get3A_177 = arith.constant 0 : index
    %get3A_178 = vector.load %arg6[%get3A_176, %get3A_177] : memref<16x1024xf32, #tpu.memory_space<vmem>>, vector<16x1024xf32>
    %dot_general3A_179 = arith.constant dense<0.000000e+00> : vector<16x1024xf32>
    %dot_general3A_180 = tpu.matmul %select_n3A_175, %mul3A_81, %dot_general3A_179 {dimension_numbers = #tpu.dot_dimension_numbers<[1], [0], [0], [1], [0, 0, 1, 1], [], []>, precision = #tpu.contract_precision<fp32>, transpose_lhs_hint = false} : vector<16x704xf32>, vector<704x1024xf32>, vector<16x1024xf32> -> vector<16x1024xf32>
    %add3A_181 = arith.addf %get3A_178, %dot_general3A_180 : vector<16x1024xf32>
    %swap3A_182 = arith.constant 0 : index
    %swap3A_183 = arith.constant 0 : index
    %swap3A_184 = vector.load %arg6[%swap3A_182, %swap3A_183] : memref<16x1024xf32, #tpu.memory_space<vmem>>, vector<16x1024xf32>
    tpu.vector_store %arg6[%swap3A_182, %swap3A_183], %add3A_181 {strides = array<i32>} : memref<16x1024xf32, #tpu.memory_space<vmem>>, vector<16x1024xf32>,
    %get3A_185 = arith.constant 0 : index
    %get3A_186 = arith.constant 0 : index
    %get3A_187 = vector.load %arg7[%get3A_185, %get3A_186] : memref<16x1024xf32, #tpu.memory_space<vmem>>, vector<16x1024xf32>
    %mul3A_188 = arith.mulf %mul3A_81, %get3A_3 : vector<704x1024xf32>
    %dot_general3A_189 = arith.constant dense<0.000000e+00> : vector<16x1024xf32>
    %dot_general3A_190 = tpu.matmul %select_n3A_175, %mul3A_188, %dot_general3A_189 {dimension_numbers = #tpu.dot_dimension_numbers<[1], [0], [0], [1], [0, 0, 1, 1], [], []>, precision = #tpu.contract_precision<fp32>, transpose_lhs_hint = false} : vector<16x704xf32>, vector<704x1024xf32>, vector<16x1024xf32> -> vector<16x1024xf32>
    %add3A_191 = arith.addf %get3A_187, %dot_general3A_190 : vector<16x1024xf32>
    %swap3A_192 = arith.constant 0 : index
    %swap3A_193 = arith.constant 0 : index
    %swap3A_194 = vector.load %arg7[%swap3A_192, %swap3A_193] : memref<16x1024xf32, #tpu.memory_space<vmem>>, vector<16x1024xf32>
    tpu.vector_store %arg7[%swap3A_192, %swap3A_193], %add3A_191 {strides = array<i32>} : memref<16x1024xf32, #tpu.memory_space<vmem>>, vector<16x1024xf32>,
    %eq3A_195 = arith.constant 3 : i32
    %eq3A_196 = arith.cmpi eq, %arg0, %eq3A_195 : i32
    %convert_element_type3A_197 = arith.extui %eq3A_196 : i1 to i32
    %cond3A_198 = arith.constant 0 : i32
    %cond3A_199 = arith.cmpi ne, %convert_element_type3A_197, %cond3A_198 : i32
    scf.if %cond3A_199 {
      %get3A_200 = arith.constant 0 : index
      %get3A_201 = arith.constant 0 : index
      %get3A_202 = vector.load %arg6[%get3A_200, %get3A_201] : memref<16x1024xf32, #tpu.memory_space<vmem>>, vector<16x1024xf32>
      %mul3A_203 = arith.constant 4.8828125E-4 : f32
      %mul3A_204 = vector.broadcast %mul3A_203 : f32 to vector<16x1024xf32>
      %mul3A_205 = arith.mulf %get3A_202, %mul3A_204 : vector<16x1024xf32>
      %dot_general3A_206 = arith.constant dense<0.000000e+00> : vector<1024x1024xf32>
      %dot_general3A_207 = tpu.matmul %mul3A_205, %mul3A_205, %dot_general3A_206 {dimension_numbers = #tpu.dot_dimension_numbers<[0], [0], [1], [1], [0, 1, 1, 1], [], []>, precision = #tpu.contract_precision<fp32>, transpose_lhs_hint = false} : vector<16x1024xf32>, vector<16x1024xf32>, vector<1024x1024xf32> -> vector<1024x1024xf32>
      %get3A_208 = arith.constant 0 : index
      %get3A_209 = arith.constant 0 : index
      %get3A_210 = vector.load %arg5[%get3A_208, %get3A_209] : memref<1024x1024xf32, #tpu.memory_space<vmem>>, vector<1024x1024xf32>
      %mul3A_211 = arith.constant 2.048000e+03 : f32
      %mul3A_212 = vector.broadcast %mul3A_211 : f32 to vector<1024x1024xf32>
      %mul3A_213 = arith.mulf %mul3A_212, %dot_general3A_207 : vector<1024x1024xf32>
      %sub3A_214 = arith.subf %get3A_210, %mul3A_213 : vector<1024x1024xf32>
      %mul3A_215 = arith.constant 3.48784488E-5 : f32
      %mul3A_216 = vector.broadcast %mul3A_215 : f32 to vector<1024x1024xf32>
      %mul3A_217 = arith.mulf %sub3A_214, %mul3A_216 : vector<1024x1024xf32>
      %mul3A_218 = arith.mulf %mul3A_217, %mul3A_217 : vector<1024x1024xf32>
      %iota3A_219 = tpu.iota {dimensions = array<i32: 0>} : vector<1024x1024xi32>
      %iota3A_220 = tpu.iota {dimensions = array<i32: 1>} : vector<1024x1024xi32>
      %eq3A_221 = arith.cmpi eq, %iota3A_219, %iota3A_220 : vector<1024x1024xi32>
      %jit3A_222 = arith.constant 0.000000e+00 : f32
      %broadcast_in_dim3A_223 = vector.broadcast %jit3A_222 : f32 to vector<1024x1024xf32>
      %select_n3A_224 = arith.select %eq3A_221, %broadcast_in_dim3A_223, %mul3A_218 : vector<1024x1024xi1>, vector<1024x1024xf32>
      %reduce_sum3A = vector.shape_cast %select_n3A_224 : vector<1024x1024xf32> to vector<1x1024x1024xf32>
      %reduce_sum3A_225 = arith.constant dense<0.000000e+00> : vector<1xf32>
      %reduce_sum3A_226 = vector.multi_reduction <add>, %reduce_sum3A, %reduce_sum3A_225 [1, 2] : vector<1x1024x1024xf32> to vector<1xf32>
      %reduce_sum3A_227 = vector.shape_cast %reduce_sum3A_226 : vector<1xf32> to vector<1x1x1xf32>
      %reduce_sum3A_228 = vector.extract %reduce_sum3A_227[0, 0, 0] : f32 from vector<1x1x1xf32>
      %mul3A_229 = arith.constant 9.765625E-4 : f32
      %mul3A_230 = arith.mulf %reduce_sum3A_228, %mul3A_229 : f32
      %get3A_231 = arith.constant 0 : index
      %get3A_232 = arith.constant 0 : index
      %get3A_233 = vector.load %arg7[%get3A_231, %get3A_232] : memref<16x1024xf32, #tpu.memory_space<vmem>>, vector<16x1024xf32>
      %mul3A_234 = arith.mulf %mul3A_205, %mul3A_205 : vector<16x1024xf32>
      %mul3A_235 = arith.constant 2.048000e+03 : f32
      %mul3A_236 = vector.broadcast %mul3A_235 : f32 to vector<16x1024xf32>
      %mul3A_237 = arith.mulf %mul3A_236, %mul3A_234 : vector<16x1024xf32>
      %sub3A_238 = arith.subf %get3A_233, %mul3A_237 : vector<16x1024xf32>
      %mul3A_239 = arith.constant 4.88519785E-4 : f32
      %mul3A_240 = vector.broadcast %mul3A_239 : f32 to vector<16x1024xf32>
      %mul3A_241 = arith.mulf %sub3A_238, %mul3A_240 : vector<16x1024xf32>
      %add3A_242 = arith.constant 9.99999974E-5 : f32
      %add3A_243 = vector.broadcast %add3A_242 : f32 to vector<16x1024xf32>
      %add3A_244 = arith.addf %mul3A_241, %add3A_243 : vector<16x1024xf32>
      %sqrt3A = math.sqrt %add3A_244 : vector<16x1024xf32>
      %iota3A_245 = tpu.iota {dimensions = array<i32: 0>} : vector<16x1024xi32>
      %lt3A_246 = arith.constant 14 : i32
      %lt3A_247 = vector.broadcast %lt3A_246 : i32 to vector<16x1024xi32>
      %lt3A_248 = arith.cmpi slt, %iota3A_245, %lt3A_247 : vector<16x1024xi32>
      %sub3A_249 = arith.constant 1.000000e+00 : f32
      %sub3A_250 = vector.broadcast %sub3A_249 : f32 to vector<16x1024xf32>
      %sub3A_251 = arith.subf %sub3A_250, %sqrt3A : vector<16x1024xf32>
      %max3A = arith.constant 0.000000e+00 : f32
      %max3A_252 = vector.broadcast %max3A : f32 to vector<16x1024xf32>
      %max3A_253 = arith.maximumf %sub3A_251, %max3A_252 : vector<16x1024xf32>
      %jit3A_254 = arith.constant 0.000000e+00 : f32
      %broadcast_in_dim3A_255 = vector.broadcast %jit3A_254 : f32 to vector<16x1024xf32>
      %select_n3A_256 = arith.select %lt3A_248, %max3A_253, %broadcast_in_dim3A_255 : vector<16x1024xi1>, vector<16x1024xf32>
      %reduce_sum3A_257 = vector.shape_cast %select_n3A_256 : vector<16x1024xf32> to vector<1x16x1024xf32>
      %reduce_sum3A_258 = arith.constant dense<0.000000e+00> : vector<1xf32>
      %reduce_sum3A_259 = vector.multi_reduction <add>, %reduce_sum3A_257, %reduce_sum3A_258 [1, 2] : vector<1x16x1024xf32> to vector<1xf32>
      %reduce_sum3A_260 = vector.shape_cast %reduce_sum3A_259 : vector<1xf32> to vector<1x1x1xf32>
      %reduce_sum3A_261 = vector.extract %reduce_sum3A_260[0, 0, 0] : f32 from vector<1x1x1xf32>
      %mul3A_262 = arith.constant 6.97544674E-5 : f32
      %mul3A_263 = arith.mulf %reduce_sum3A_261, %mul3A_262 : f32
      %get3A_264 = arith.constant 0 : index
      %get3A_265 = arith.constant 0 : index
      %get3A_266 = arith.constant 0 : index
      %get3A_267 = vector.load %arg3[%get3A_264, %get3A_265, %get3A_266] : memref<4x1x4xf32, #tpu.memory_space<vmem>>, vector<4x1x4xf32>
      %reduce_sum3A_268 = vector.shape_cast %get3A_267 : vector<4x1x4xf32> to vector<1x4x1x4xf32>
      %reduce_sum3A_269 = arith.constant dense<0.000000e+00> : vector<1xf32>
      %reduce_sum3A_270 = vector.multi_reduction <add>, %reduce_sum3A_268, %reduce_sum3A_269 [1, 2, 3] : vector<1x4x1x4xf32> to vector<1xf32>
      %reduce_sum3A_271 = vector.shape_cast %reduce_sum3A_270 : vector<1xf32> to vector<1x1x1x1xf32>
      %reduce_sum3A_272 = vector.extract %reduce_sum3A_271[0, 0, 0, 0] : f32 from vector<1x1x1x1xf32>
      %mul3A_273 = arith.constant 1.1920929E-7 : f32
      %mul3A_274 = arith.mulf %reduce_sum3A_272, %mul3A_273 : f32
      %mul3A_275 = arith.constant 2.500000e+01 : f32
      %mul3A_276 = arith.mulf %mul3A_275, %mul3A_274 : f32
      %mul3A_277 = arith.constant 2.500000e+01 : f32
      %mul3A_278 = arith.mulf %mul3A_277, %mul3A_263 : f32
      %add3A_279 = arith.addf %mul3A_276, %mul3A_278 : f32
      %add3A_280 = arith.addf %add3A_279, %mul3A_230 : f32
      %reshape3A = vector.broadcast %add3A_280 : f32 to vector<1x1xf32>
      %swap3A_281 = arith.constant 0 : index
      %swap3A_282 = arith.constant 0 : index
      %swap3A_283 = vector.load %arg4[%swap3A_281, %swap3A_282] : memref<1x1xf32, #tpu.memory_space<vmem>>, vector<1x1xf32>
      tpu.vector_store %arg4[%swap3A_281, %swap3A_282], %reshape3A {strides = array<i32>} : memref<1x1xf32, #tpu.memory_space<vmem>>, vector<1x1xf32>,
    } else {
    }
    return
  }
  func.func @transform_0(%arg0: i32) -> (i32, i32) {
    %c0_i32 = arith.constant 0 : i32
    %c0_i32_0 = arith.constant 0 : i32
    return %arg0, %c0_i32 : i32, i32
  }
  func.func @transform_1(%arg0: i32) -> (i32, i32) {
    %c0_i32 = arith.constant 0 : i32
    %c0_i32_0 = arith.constant 0 : i32
    %c0_i32_1 = arith.constant 0 : i32
    return %c0_i32, %c0_i32_0 : i32, i32
  }
  func.func @transform_2(%arg0: i32) -> (i32, i32, i32) {
    %c0_i32 = arith.constant 0 : i32
    %c0_i32_0 = arith.constant 0 : i32
    %c0_i32_1 = arith.constant 0 : i32
    %c0_i32_2 = arith.constant 0 : i32
    return %c0_i32, %c0_i32_0, %c0_i32_1 : i32, i32, i32
  }
  func.func @transform_3(%arg0: i32) -> (i32, i32) {
    %c0_i32 = arith.constant 0 : i32
    %c0_i32_0 = arith.constant 0 : i32
    %c0_i32_1 = arith.constant 0 : i32
    return %c0_i32, %c0_i32_0 : i32, i32
  }
}

</mosaic_0001>

<sc_bundles>
// kernel: kernel.5.cloned.1.call-start
scs
__scs_entry_jumppad:
0x0: {  	(pc) =	sbr.rel $0x88, $3  }
0x1: {  	(tag) =	ssettag $0x0;
	lr =	simm.s32 $0x1  }
0x2: {  	[smem:$0x3F9C] =	sst lr;
	_ =	strace $0xD0000000  }
0x3: {  	_ = 	snop  }
0x4: {  	_ = 	snop  }
0x5: {  	_ = 	snop  }
0x6: {  	_ = 	snop  }
0x7: {  	_ = 	snop  }
__scs_overlays_trampoline_lowered:
0x8: {  	[smem:$0x3FAB] =	sst s0  }
0x9: {  	[smem:$0x3FAC] =	sst s1  }
0xa: {  	[smem:$0x3FAD] =	sst s2  }
0xb: {  	[smem:$0x3FAE] =	sst s3  }
0xc: {  	[smem:$0x3FAF] =	sst s4  }
0xd: {  	[smem:$0x3FB0] =	sst s5  }
0xe: {  	[smem:$0x3FB1] =	sst s6  }
0xf: {  	[smem:$0x3FB2] =	sst s7  }
0x10: {  	[smem:$0x3FB3] =	sst s8  }
0x11: {  	[smem:$0x3FB4] =	sst s9;
	s0 =	simm.s32 @!p0 $0x0  }
0x12: {  	s1 =	sld [smem:$0x3F9A];
	s0 =	simm.s32 @p0 $0x1  }
0x13: {  	[smem:$0x3FB5] =	sst s0;
	s0 =	simm.s32 @!p1 $0x0  }
0x14: {  	s2 =	sld [smem:$0x3F99];
	s0 =	simm.s32 @p1 $0x1  }
0x15: {  	[smem:$0x3FB6] =	sst s0;
	s0 =	simm.s32 @!p2 $0x0  }
0x16: {  	s3 =	sld [smem:$0x3FDB];
	s0 =	simm.s32 @p2 $0x1  }
0x17: {  	s4 =	simm.s32 $0x1BF5;
	[smem:$0x3FB8] =	sst s0  }
0x18: {  	s0 =	sld [smem:$0x3F9B];
	_ =	swait.ge [sflag:s4], $0x0  }
0x19: {  	s7 =	sld [smem:$0x3F9C]  }
0x1a: {  	s8 =	sadd.s32 $0xFFFFE003, lr  }
0x1b: {  	s9 =	sadd.s32 $0xFFFFFEF7, lr;
	s5 =	simm.s32 $0xFFFFFFFF;
	p2 =	slt.u32 s8, $0xFFFFF086  }
0x1c: {  	p1 =	slt.u32 s9, $0xF7A;
	s5 =	simm.s32 @!p2 $0x0  }
0x1d: {  	s5 =	simm.s32 @p1 $0x1;
	p0 =	seq.s32 s7, s2  }
0x1e: {  	s7 =	smul.u32 @!p0 $0xF7A, s2;
	p2 =	seq.s32 @!p0 s5, $0x0  }
0x1f: {  	s9 =	smul.u32 $0xF7A, s1;
	s8 =	simm.s32 @!p0 $0x1BF5;
	p2 =	por !p2, p0  }
0x20: {  	[sflag:s8] =	ssyncset.s32 @!p0 $0xFFFFF086;
	s6 =	sadd.s32 @!p0 s3, s7;
	s7 =	simm.s32 @!p0 $0x108  }
0x21: {  	s3 =	sadd.s32 s3, s9;
	s6 =	sadd.s32 @!p0 $0x88, s6;
	s7 =	simm.s32 @p2 $0x1082  }
0x22: {  	[simem:s7], [sflag:s8] =	dma.local @!p0 [hbm:s6], $0xF7A  }
0x23: {  	s9 =	sor.u32 $0xD0000000, s2;
	s6 =	simm.s32 $0x108;
	_ =	swait.ge @!p0 [sflag:s8], $0x0  }
0x24: {  	s3 =	sadd.s32 $0x88, s3;
	s6 =	simm.s32 @!p1 $0x1082;
	[sflag:s4] =	ssyncset.s32 $0xFFFFF086  }
0x25: {  	[simem:s6], [sflag:s4] =	dma.local [hbm:s3], $0xF7A  }
0x26: {  	[smem:$0x3F9C] =	sst s1;
	(tag) =	ssettag s2;
	_ =	strace s9  }
0x27: {  	s1 =	sld [smem:$0x3FAC]  }
0x28: {  	s2 =	sld [smem:$0x3FAD]  }
0x29: {  	s4 =	sld [smem:$0x3FAF]  }
0x2a: {  	p0 =	seq.s32 s5, $0x0;
	s5 =	sld [smem:$0x3FB0]  }
0x2b: {  	s6 =	sld [smem:$0x3FB1]  }
0x2c: {  	s7 =	sld [smem:$0x3FB2]  }
0x2d: {  	s3 =	simm.s32 $0x108;
	s8 =	sld [smem:$0x3FB3]  }
0x2e: {  	s3 =	simm.s32 @!p0 $0x1082;
	s9 =	sld [smem:$0x3FB4]  }
0x2f: {  	lr =	sadd.s32 s0, s3;
	s0 =	sld [smem:$0x3FAB]  }
0x30: {  	s3 =	sld [smem:$0x3FAE]  }
0x31: {  	[smem:$0x3FB7] =	sst s10  }
0x32: {  	s10 =	sld [smem:$0x3FB5];
	_ =	sdelay $0x3  }
0x33: {  	p0 =	seq.s32 s10, $0x1;
	s10 =	sld [smem:$0x3FB7];
	_ =	sdelay $0x3  }
0x34: {  	[smem:$0x3FB7] =	sst s10  }
0x35: {  	s10 =	sld [smem:$0x3FB6];
	_ =	sdelay $0x3  }
0x36: {  	p1 =	seq.s32 s10, $0x1;
	s10 =	sld [smem:$0x3FB7];
	_ =	sdelay $0x3  }
0x37: {  	[smem:$0x3FB7] =	sst s10  }
0x38: {  	s10 =	sld [smem:$0x3FB8]  }
0x39: {  	_ = 	snop;
	(pc) =	sbr.ind lr, $3  }
0x3a: {  	_ = 	snop  }
0x3b: {  	_ = 	snop  }
0x3c: {  	p2 =	seq.s32 s10, $0x1;
	s10 =	sld [smem:$0x3FB7]  }
0x3d: {  	_ =	shalt  }
0x3e: {  	_ =	shalt  }
0x3f: {  	_ =	shalt  }
0x40: {  	_ =	shalt  }
0x41: {  	_ =	shalt  }
0x42: {  	_ =	shalt  }
0x43: {  	_ =	shalt  }
0x44: {  	_ =	shalt  }
0x45: {  	_ =	shalt  }
0x46: {  	_ =	shalt  }
0x47: {  	_ =	shalt  }
0x48: {  	_ =	shalt  }
0x49: {  	_ =	shalt  }
0x4a: {  	_ =	shalt  }
0x4b: {  	_ =	shalt  }
0x4c: {  	_ =	shalt  }
0x4d: {  	_ =	shalt  }
0x4e: {  	_ =	shalt  }
0x4f: {  	_ =	shalt  }
0x50: {  	_ =	shalt  }
0x51: {  	_ =	shalt  }
0x52: {  	_ =	shalt  }
0x53: {  	_ =	shalt  }
0x54: {  	_ =	shalt  }
0x55: {  	_ =	shalt  }
0x56: {  	_ =	shalt  }
0x57: {  	_ =	shalt  }
0x58: {  	_ =	shalt  }
0x59: {  	_ =	shalt  }
0x5a: {  	_ =	shalt  }
0x5b: {  	_ =	shalt  }
0x5c: {  	_ =	shalt  }
0x5d: {  	_ =	shalt  }
0x5e: {  	_ =	shalt  }
0x5f: {  	_ =	shalt  }
0x60: {  	_ =	shalt  }
0x61: {  	_ =	shalt  }
0x62: {  	_ =	shalt  }
0x63: {  	_ =	shalt  }
0x64: {  	_ =	shalt  }
0x65: {  	_ =	shalt  }
0x66: {  	_ =	shalt  }
0x67: {  	_ =	shalt  }
0x68: {  	_ =	shalt  }
0x69: {  	_ =	shalt  }
0x6a: {  	_ =	shalt  }
0x6b: {  	_ =	shalt  }
0x6c: {  	_ =	shalt  }
0x6d: {  	_ =	shalt  }
0x6e: {  	_ =	shalt  }
0x6f: {  	_ =	shalt  }
0x70: {  	_ =	shalt  }
0x71: {  	_ =	shalt  }
0x72: {  	_ =	shalt  }
0x73: {  	_ =	shalt  }
0x74: {  	_ =	shalt  }
0x75: {  	_ =	shalt  }
0x76: {  	_ =	shalt  }
0x77: {  	_ =	shalt  }
0x78: {  	_ =	shalt  }
0x79: {  	_ =	shalt  }
0x7a: {  	_ =	shalt  }
0x7b: {  	_ =	shalt  }
0x7c: {  	_ =	shalt  }
0x7d: {  	_ =	shalt  }
0x7e: {  	_ =	shalt  }
0x7f: {  	_ =	shalt  }
0x80: {  	_ =	shalt  }
0x81: {  	_ =	shalt  }
0x82: {  	_ =	shalt  }
0x83: {  	_ =	shalt  }
0x84: {  	_ =	shalt  }
0x85: {  	_ =	shalt  }
0x86: {  	_ =	shalt  }
0x87: {  	_ =	shalt  }
.Lfunc_end0:
.L_simem_size_0:
called_computation_lowered:
.L_overlay_start_0:
0x88: {  	s2 =	sld [smem:$0x3FD9]  }
0x89: {  	s3 =	sld [smem:$0x3FFE];
	_ =	sdelay $0x1  }
0x8a: {  	s1 =	srdreg.scid  }
0x8b: {  	s0 =	sand.u32 $0x1, s1  }
0x8c: {  	s14 =	sshll.u32 s0, $0xA;
	s2 =	sadd.s32 s3, s2  }
0x8d: {  	s2 =	sadd.s32 s2, s14  }
0x8e: {  	[smem:$0x3FC3] =	sst s2  }
0x8f: {  	_ = 	snop  }
0x90: {  	s2 =	sld [smem:$0x3FD0];
	_ =	sdelay $0x2  }
0x91: {  	s15 =	simm.s32 $0xA;
	s4 =	simm.s32 $0x10  }
0x92: {  	[smem:s4], [sflag:s15] =	dma.local [hbm:s2], $0x1  }
0x93: {  	_ =	swait.eq [sflag:s15], $0x1  }
0x94: {  	[sflag:s15] =	ssyncset.done $0x0  }
0x95: {  	s16 =	sld [smem:$0x11];
	[sflag:s15] =	ssyncadd.s32 $0xFFFFFFFF  }
0x96: {  	s17 =	sld [smem:$0x12];
	(tm) =	ssettm $0x1  }
0x97: {  	s18 =	sld [smem:$0x3FFB];
	_ =	sdelay $0x3  }
0x98: {  	_ =	strace s18  }
0x99: {  	s4 =	sld [smem:$0x3FFC];
	_ =	sdelay $0x3  }
0x9a: {  	_ =	strace s4  }
0x9b: {  	s4 =	sld [smem:$0x3FFD];
	_ =	sdelay $0x3  }
0x9c: {  	_ =	strace s4  }
0x9d: {  	_ =	strace $0x8FFFFFFF  }
0x9e: {  	s19 =	sld [smem:$0x3FDB];
	_ =	sdelay $0x1  }
0x9f: {  	s5 =	simm.s32 $_scs_section_size  }
0xa0: {  	s6 =	simm.s32 $_size__tile_overlayer_lowered;
	s7 =	simm.s32 $_tile_overlayer_lowered  }
0xa1: {  	s22 =	simm.s32 $0x1BFF;
	s21 =	sshll.u32 s7, $0x1;
	s4 =	sadd.s32 s5, s19  }
0xa2: {  	s8 =	simm.s32 $0x0;
	s20 =	sshll.u32 s6, $0x1;
	s6 =	sadd.s32 s21, s4  }
0xa3: {  	[timem:s8], [sflag:s22] =	dma.local [hbm:s6], s20  }
0xa4: {  	_ =	swait.ge [sflag:s22], s20  }
0xa5: {  	s5 =	ssub.s32 $0x0, s20;
	[sflag:s22] =	ssyncset.done $0x0  }
0xa6: {  	[sflag:s22] =	ssyncadd.s32 s5;
	_ =	sdelay $0x1  }
0xa7: {  	s23 =	simm.s32 $0x1B8B  }
0xa8: {  	_ =	swait.ge [sflag:s23], $0x1  }
0xa9: {  	[sflag:s23] =	ssyncset.done $0x0  }
0xaa: {  	s25 =	simm.s32 $0x1B8E;
	s24 =	sld [smem:$0x3FFE];
	[sflag:s23] =	ssyncadd.s32 $0xFFFFFFFF  }
0xab: {  	s26 =	simm.s32 $execute0_lowered;
	[smem:$0x3FD2] =	sst s25  }
0xac: {  	s6 =	sshll.u32 s26, $0x1;
	_ =	strace $0x80000046;
	[dreg:$0x1] =	wrdreg $0xFFFFFFFF  }
0xad: {  	s28 =	simm.s32 $_size_execute0_lowered;
	s4 =	sadd.s32 s4, s6;
	[dreg:$0x0] =	wrdreg $0x0  }
0xae: {  	s6 =	sshll.u32 s28, $0x1;
	[dreg:$0x2] =	wrdreg s4  }
0xaf: {  	[dreg:$0x3] =	wrdreg s6  }
0xb0: {  	[dreg:$0x4] =	wrdreg $0xC0  }
0xb1: {  	_ =	task [dreg:s8], $0x5FFFF  }
0xb2: {  	[dreg:$0x1] =	wrdreg $0xFFFFFFFF  }
0xb3: {  	[dreg:$0x0] =	wrdreg $0x60  }
0xb4: {  	[dreg:$0x2] =	wrdreg s24  }
0xb5: {  	[dreg:$0x3] =	wrdreg s16  }
0xb6: {  	[dreg:$0x4] =	wrdreg s17  }
0xb7: {  	[dreg:$0x5] =	wrdreg $0x9  }
0xb8: {  	_ =	task.clear_ibuf [dreg:s8], $0x6FFFF;
	_ =	strace $0x90000046  }
0xb9: {  	s29 =	simm.s32 $0x9;
	_ =	strace $0x80000048  }
0xba: {  	_ =	swait.ge [sflag:s29], $0x1  }
0xbb: {  	[sflag:s29] =	ssyncadd.s32 $0xFFFFFFFF  }
0xbc: {  	_ =	strace $0x90000048  }
0xbd: {  	_ =	sfence  }
0xbe: {  	s30 =	sld [smem:$0x0];
	_ =	sdelay $0x2  }
0xbf: {  	s31 =	sshll.u32 s1, $0xD;
	s1 =	sshrl.u32 s1, $0x2  }
0xc0: {  	s3 =	sand.u32 $0x4000, s31;
	s1 =	sadd.s32 s1, s30  }
0xc1: {  	s0 =	sor.u32 s3, s0;
	s1 =	sshll.u32 s1, $0x11  }
0xc2: {  	s0 =	sor.u32 s1, s0  }
0xc3: {  	s0 =	sadd.s32 $0x8F2B, s0  }
0xc4: {  	[sflag:s0] =	ssyncadd.remote.s32 $0x1  }
0xc5: {  	_ =	sfence.sel $0xFFFF  }
0xc6: {  	[dreg:$0x0] =	wrdreg $0xFFFFFFFF;
	(pc) =	sbr.abs _section_cstart, $3  }
0xc7: {  	[dreg:$0x1] =	wrdreg $0xFFFFFFFF  }
0xc8: {  	_ =	task.clear_ibuf [dreg:s8], $0x2FFFF;
	_ =	strace $0x9FFFFFFF  }
0xc9: {  	(tm) =	ssettm $0x7FFFFFFF  }
tec
execute0_lowered:
.L_overlay_start_1:
0x0: {  	(tag) =	ssettag $0x1  }
0x1: {  	s1 =	rddreg [dreg:$0x0]  }
0x2: {  	s2 =	rddreg [dreg:$0x1]  }
0x3: {  	s0 =	rddreg [dreg:$0x2];
	s4 =	simm.s32 $0x0  }
0x4: {  	s3 =	srdreg.scid;
	s9 =	stileid.u32;
	s22 =	simm.s32 $0xCD80  }
0x5: {  	s24 =	simm.s32 $0xD580;
	s26 =	simm.s32 $0xDD80;
	s11 =	simm.s32 $0xE580  }
0x6: {  	s13 =	simm.s32 $0xED80;
	s30 =	simm.s32 $0x1;
	s31 =	simm.s32 $0x4580  }
0x7: {  	s29 =	simm.s32 $0xC580;
	s28 =	simm.s32 $0x3;
	[smem:$0x7FF] =	sst s4  }
0x8: {  	s3 =	sand.u32 $0x1, s3;
	_ =	strace $0x80000047;
	[dreg:$0x5] =	wrdreg s22  }
0x9: {  	s5 =	sshll.u32 s9, $0x1;
	s17 =	sshll.u32 s9, $0xE;
	[dreg:$0x6] =	wrdreg s24  }
0xa: {  	s5 =	sor.u32 s3, s5;
	s6 =	ssub.s32 $0x2, s3;
	[dreg:$0x7] =	wrdreg s26  }
0xb: {  	s0 =	sadd.s32 s17, s0;
	s18 =	sshll.u32 s3, $0xD;
	[dreg:$0x8] =	wrdreg s11  }
0xc: {  	[dreg:$0x9] =	wrdreg s13;
	s17 =	simm.s32 $0xFD80;
	s22 =	simm.s32 $0x11D80  }
0xd: {  	s24 =	sshll.u32 s9, $0x10;
	s26 =	simm.s32 $0x13580;
	[dreg:$0xb] =	wrdreg s17  }
0xe: {  	s7 =	sshll.u32 s5, $0x6;
	s5 =	sshll.u32 s5, $0x3;
	[dreg:$0xf] =	wrdreg s22  }
0xf: {  	s0 =	sadd.s32 s18, s0;
	[dreg:$0x12] =	wrdreg s26;
	s5 =	sadd.s32 s5, s1  }
0x10: {  	s3 =	sshll.u32 s3, $0xF;
	[dreg:$0x4] =	wrdreg s0;
	s15 =	sadd.s32 $0x58000, s5  }
0x11: {  	s9 =	simm.s32 $0x2D80;
	s16 =	sadd.s32 $0x58100, s5;
	[dreg:$0x13] =	wrdreg s15  }
0x12: {  	s11 =	simm.s32 $0x3D80;
	s10 =	sadd.s32 $0x58200, s5;
	[dreg:$0x14] =	wrdreg s16  }
0x13: {  	s8 =	sshrl.u32 s6, $0x1;
	s19 =	sadd.s32 $0x58300, s5;
	[dreg:$0x15] =	wrdreg s10  }
0x14: {  	s22 =	sor.u32 s3, s24;
	s20 =	sadd.s32 $0x58400, s5;
	[dreg:$0x16] =	wrdreg s19  }
0x15: {  	s24 =	sadd.s32 $0x200, s2;
	s21 =	sadd.s32 $0x58500, s5;
	[dreg:$0x17] =	wrdreg s20  }
0x16: {  	s3 =	simm.s32 $0x2;
	s23 =	sadd.s32 $0x58600, s5;
	[dreg:$0x18] =	wrdreg s21  }
0x17: {  	s7 =	sadd.s32 s7, s1;
	s25 =	sadd.s32 $0x58700, s5;
	[dreg:$0x19] =	wrdreg s23  }
0x18: {  	s6 =	ssub.s32 s6, s8;
	s12 =	sadd.s32 $0x58900, s5;
	[dreg:$0x1a] =	wrdreg s25  }
0x19: {  	s26 =	sadd.s32 s2, s22;
	s14 =	sadd.s32 $0x58A00, s5;
	[dreg:$0x1c] =	wrdreg s12  }
0x1a: {  	s0 =	simm.s32 $0x13D80;
	s18 =	sadd.s32 $0x58C00, s5;
	[dreg:$0x1d] =	wrdreg s14  }
0x1b: {  	s8 =	simm.s32 $0x2580;
	s10 =	sadd.s32 $0x58800, s5;
	[dreg:$0x1f] =	wrdreg s18  }
0x1c: {  	s15 =	simm.s32 $0xF580;
	s16 =	sadd.s32 $0x58B00, s5;
	[dreg:$0x1b] =	wrdreg s10  }
0x1d: {  	s19 =	simm.s32 $0x10580;
	s18 =	sadd.s32 $0x58D00, s5;
	[dreg:$0x1e] =	wrdreg s16  }
0x1e: {  	s20 =	simm.s32 $0x10D80;
	s21 =	simm.s32 $0x11580;
	[dreg:$0xa] =	wrdreg s15  }
0x1f: {  	s23 =	simm.s32 $0x12580;
	s25 =	simm.s32 $0x12D80;
	[dreg:$0xc] =	wrdreg s19  }
.Ltmp0:
0x20: {  	s5 =	simm.s32 $0x4;
	[dreg:$0xd] =	wrdreg s20;
	(pc) =	sbr.rel .LBB2_1-.Ltmp0, $4  }
0x21: {  	v3 =	vlaneseq.u32;
	s12 =	simm.s32 $0x0;
	s19 =	sadd.s32 $0x58E00, s7;
	[dreg:$0xe] =	wrdreg s21  }
0x22: {  	vm0 =	vmmov $0xffff;
	v0 =	vand.u32 $0x7, v3;
	s20 =	sadd.s32 $0x100, s1;
	s21 =	sadd.s32 $0x200, s1;
	[dreg:$0x10] =	wrdreg s23  }
0x23: {  	v1 =	vshrl.u32 v3, $0x3;
	v4 =	vshrl.u32 v3, $0x2;
	v2 =	vor.u32 $0x8, v3;
	[dreg:$0x11] =	wrdreg s25;
	s23 =	sadd.s32 $0x300, s1;
	s25 =	smax.u32 s6, $0x1  }
0x24: {  	v3 =	vand.u32 $0x3, v3;
	v1 =	vmul.u32 $0x8, v1;
	v4 =	vmul.u32 $0x8, v4;
	s6 =	simm.s32 $0x580;
	s7 =	simm.s32 $0x1580;
	s10 =	simm.s32 $0x3580  }
.LBB2_12:
0x25: {  	_ =	swait.ge [sflag:s28], $0x1000  }
0x26: {  	[sflag:s28] =	ssyncset.done $0x0  }
0x27: {  	[sflag:s28] =	ssyncadd.s32 $0xFFFFF000  }
0x28: {  	_ =	swait.ge [sflag:s28], $0x1000  }
0x29: {  	[sflag:s28] =	ssyncset.done $0x0  }
0x2a: {  	s12 =	sadd.s32 $0x1, s12;
	[sflag:s28] =	ssyncadd.s32 $0xFFFFF000  }
0x2b: {  	p0 =	sne.s32 s12, s25;
	_ =	swait.ge [sflag:s5], $0x1000  }
.Ltmp1:
0x2c: {  	[sflag:s5] =	ssyncset.done $0x0;
	(pc) =	sbr.rel @!p0 .LBB2_13-.Ltmp1, $4  }
0x2d: {  	[sflag:s5] =	ssyncadd.s32 $0xFFFFF000  }
0x2e: {  	_ =	swait.ge [sflag:s5], $0x1000  }
0x2f: {  	[sflag:s5] =	ssyncset.done $0x0  }
0x30: {  	[sflag:s5] =	ssyncadd.s32 $0xFFFFF000  }
.LBB2_1:
0x31: {  	s13 =	rddreg [dreg:$0x13]  }
0x32: {  	[tilespmem:s4], [sflag:$0x1] =	stream.linear.gather [hbm4b:s13+s4], $0x40, $0x38;
	[tilespmem:$0x14580] =	vst v63  }
0x33: {  	s17 =	rddreg [dreg:$0x14];
	s14 =	simm.s32 $0x40  }
0x34: {  	[tilespmem:s14], [sflag:$0x1] =	stream.linear.gather [hbm4b:s17+s4], $0x40, $0x38;
	[tilespmem:$0x14580] =	vst v63  }
0x35: {  	s15 =	simm.s32 $0x80;
	s14 =	rddreg [dreg:$0x15]  }
0x36: {  	[tilespmem:s15], [sflag:$0x1] =	stream.linear.gather [hbm4b:s14+s4], $0x40, $0x38;
	[tilespmem:$0x14580] =	vst v63  }
0x37: {  	s16 =	rddreg [dreg:$0x16];
	s17 =	simm.s32 $0xC0  }
0x38: {  	[tilespmem:s17], [sflag:$0x1] =	stream.linear.gather [hbm4b:s16+s4], $0x40, $0x38;
	[tilespmem:$0x14580] =	vst v63  }
0x39: {  	s14 =	rddreg [dreg:$0x17];
	s15 =	simm.s32 $0x100  }
0x3a: {  	[tilespmem:s15], [sflag:$0x1] =	stream.linear.gather [hbm4b:s14+s4], $0x40, $0x38;
	[tilespmem:$0x14580] =	vst v63  }
0x3b: {  	s16 =	rddreg [dreg:$0x18];
	s17 =	simm.s32 $0x140  }
0x3c: {  	[tilespmem:s17], [sflag:$0x1] =	stream.linear.gather [hbm4b:s16+s4], $0x40, $0x38;
	[tilespmem:$0x14580] =	vst v63  }
0x3d: {  	s14 =	rddreg [dreg:$0x19];
	s15 =	simm.s32 $0x180  }
0x3e: {  	[tilespmem:s15], [sflag:$0x1] =	stream.linear.gather [hbm4b:s14+s4], $0x40, $0x38;
	[tilespmem:$0x14580] =	vst v63  }
0x3f: {  	s16 =	rddreg [dreg:$0x1a];
	s17 =	simm.s32 $0x1C0  }
0x40: {  	[tilespmem:s17], [sflag:$0x1] =	stream.linear.gather [hbm4b:s16+s4], $0x40, $0x38;
	[tilespmem:$0x14580] =	vst v63  }
0x41: {  	s14 =	rddreg [dreg:$0x1b];
	s15 =	simm.s32 $0x200  }
0x42: {  	[tilespmem:s15], [sflag:$0x1] =	stream.linear.gather [hbm4b:s14+s4], $0x40, $0x38;
	[tilespmem:$0x14580] =	vst v63  }
0x43: {  	s16 =	rddreg [dreg:$0x1c];
	s17 =	simm.s32 $0x240  }
0x44: {  	[tilespmem:s17], [sflag:$0x1] =	stream.linear.gather [hbm4b:s16+s4], $0x40, $0x38;
	[tilespmem:$0x14580] =	vst v63  }
0x45: {  	s14 =	rddreg [dreg:$0x1d];
	s15 =	simm.s32 $0x280  }
0x46: {  	[tilespmem:s15], [sflag:$0x1] =	stream.linear.gather [hbm4b:s14+s4], $0x40, $0x38;
	[tilespmem:$0x14580] =	vst v63  }
0x47: {  	s16 =	rddreg [dreg:$0x1e];
	s17 =	simm.s32 $0x2C0  }
0x48: {  	[tilespmem:s17], [sflag:$0x1] =	stream.linear.gather [hbm4b:s16+s4], $0x40, $0x38;
	[tilespmem:$0x14580] =	vst v63  }
0x49: {  	s15 =	rddreg [dreg:$0x1f];
	s16 =	simm.s32 $0x300  }
0x4a: {  	[tilespmem:s16], [sflag:$0x1] =	stream.linear.gather [hbm4b:s15+s4], $0x40, $0x38;
	[tilespmem:$0x14580] =	vst v63  }
0x4b: {  	s17 =	simm.s32 $0x340  }
0x4c: {  	[tilespmem:s17], [sflag:$0x1] =	stream.linear.gather [hbm4b:s18+s4], $0x40, $0x38;
	[tilespmem:$0x14580] =	vst v63  }
0x4d: {  	s14 =	simm.s32 $0x380  }
0x4e: {  	[tilespmem:s14], [sflag:$0x1] =	stream.linear.gather [hbm4b:s19+s4], $0x200, $0x38;
	[tilespmem:$0x14580] =	vst v63  }
0x4f: {  	_ =	swait.ge [sflag:s30], $0x40  }
0x50: {  	[sflag:s30] =	ssyncset.done $0x0  }
0x51: {  	[sflag:s30] =	ssyncadd.s32 $0xFFFFFFC0  }
0x52: {  	_ =	swait.ge [sflag:s30], $0x40  }
0x53: {  	[sflag:s30] =	ssyncset.done $0x0  }
0x54: {  	[sflag:s30] =	ssyncadd.s32 $0xFFFFFFC0  }
0x55: {  	_ =	swait.ge [sflag:s30], $0x40  }
0x56: {  	[sflag:s30] =	ssyncset.done $0x0  }
0x57: {  	[sflag:s30] =	ssyncadd.s32 $0xFFFFFFC0  }
0x58: {  	_ =	swait.ge [sflag:s30], $0x40  }
0x59: {  	[sflag:s30] =	ssyncset.done $0x0  }
0x5a: {  	[sflag:s30] =	ssyncadd.s32 $0xFFFFFFC0  }
0x5b: {  	_ =	swait.ge [sflag:s30], $0x40  }
0x5c: {  	[sflag:s30] =	ssyncset.done $0x0  }
0x5d: {  	[sflag:s30] =	ssyncadd.s32 $0xFFFFFFC0  }
0x5e: {  	_ =	swait.ge [sflag:s30], $0x40  }
0x5f: {  	[sflag:s30] =	ssyncset.done $0x0  }
0x60: {  	[sflag:s30] =	ssyncadd.s32 $0xFFFFFFC0  }
0x61: {  	_ =	swait.ge [sflag:s30], $0x40  }
0x62: {  	[sflag:s30] =	ssyncset.done $0x0  }
0x63: {  	[sflag:s30] =	ssyncadd.s32 $0xFFFFFFC0  }
0x64: {  	_ =	swait.ge [sflag:s30], $0x40  }
0x65: {  	[sflag:s30] =	ssyncset.done $0x0  }
0x66: {  	[sflag:s30] =	ssyncadd.s32 $0xFFFFFFC0  }
0x67: {  	_ =	swait.ge [sflag:s30], $0x40  }
0x68: {  	[sflag:s30] =	ssyncset.done $0x0  }
0x69: {  	[sflag:s30] =	ssyncadd.s32 $0xFFFFFFC0  }
0x6a: {  	_ =	swait.ge [sflag:s30], $0x40  }
0x6b: {  	[sflag:s30] =	ssyncset.done $0x0  }
0x6c: {  	[sflag:s30] =	ssyncadd.s32 $0xFFFFFFC0  }
0x6d: {  	_ =	swait.ge [sflag:s30], $0x40  }
0x6e: {  	[sflag:s30] =	ssyncset.done $0x0  }
0x6f: {  	[sflag:s30] =	ssyncadd.s32 $0xFFFFFFC0  }
0x70: {  	_ =	swait.ge [sflag:s30], $0x40  }
0x71: {  	[sflag:s30] =	ssyncset.done $0x0  }
0x72: {  	[sflag:s30] =	ssyncadd.s32 $0xFFFFFFC0  }
0x73: {  	_ =	swait.ge [sflag:s30], $0x40  }
0x74: {  	[sflag:s30] =	ssyncset.done $0x0  }
0x75: {  	[sflag:s30] =	ssyncadd.s32 $0xFFFFFFC0  }
0x76: {  	_ =	swait.ge [sflag:s30], $0x40  }
0x77: {  	[sflag:s30] =	ssyncset.done $0x0  }
0x78: {  	[sflag:s30] =	ssyncadd.s32 $0xFFFFFFC0  }
0x79: {  	_ =	swait.ge [sflag:s30], $0x200  }
0x7a: {  	[sflag:s30] =	ssyncset.done $0x0  }
0x7b: {  	[sflag:s30] =	ssyncadd.s32 $0xFFFFFE00  }
0x7c: {  	v5 =	vld [tilespmem:$0x0];
	_ =	sdelay $0x4  }
0x7d: {  	v6 =	vshll.u32 v5, $0x3  }
0x7e: {  	v5 =	vand.u32 $0x7, v5;
	v6 =	vand.u32 $0xFFFFFFC0, v6  }
0x7f: {  	v5 =	vor.u32 v5, v6  }
0x80: {  	v6 =	vperm.xlane v5, v0;
	_ =	sdelay $0x1  }
0x81: {  	v6 =	vadd.s32 v1, v6;
	_ =	sdelay $0x4  }
0x82: {  	[tilespmem:s31], [sflag:$0x1] =	stream.indirect_vreg.gather [hbm4b:s1+s4], $0x80, v6, vm0, $0xb8;
	[tilespmem:$0x14580] =	vst v63  }
0x83: {  	s15 =	simm.s32 $0x4D80;
	v5 =	vperm.xlane v5, v2  }
0x84: {  	[tilespmem:s15], [sflag:$0x1] =	stream.indirect_vreg.gather [hbm4b:s20+s4], $0x80, v6, vm0, $0xb8;
	[tilespmem:$0x14580] =	vst v63  }
0x85: {  	s16 =	simm.s32 $0x5580;
	v5 =	vadd.s32 v1, v5  }
0x86: {  	[tilespmem:s16], [sflag:$0x1] =	stream.indirect_vreg.gather [hbm4b:s21+s4], $0x80, v6, vm0, $0xb8;
	[tilespmem:$0x14580] =	vst v63  }
0x87: {  	s17 =	simm.s32 $0x5D80  }
0x88: {  	[tilespmem:s17], [sflag:$0x1] =	stream.indirect_vreg.gather [hbm4b:s23+s4], $0x80, v6, vm0, $0xb8;
	[tilespmem:$0x14580] =	vst v63  }
0x89: {  	s14 =	simm.s32 $0x6580  }
0x8a: {  	[tilespmem:s14], [sflag:$0x1] =	stream.indirect_vreg.gather [hbm4b:s1+s4], $0x80, v5, vm0, $0xb8;
	[tilespmem:$0x14580] =	vst v63  }
0x8b: {  	s15 =	simm.s32 $0x6D80  }
0x8c: {  	[tilespmem:s15], [sflag:$0x1] =	stream.indirect_vreg.gather [hbm4b:s20+s4], $0x80, v5, vm0, $0xb8;
	[tilespmem:$0x14580] =	vst v63  }
0x8d: {  	s16 =	simm.s32 $0x7580  }
0x8e: {  	[tilespmem:s16], [sflag:$0x1] =	stream.indirect_vreg.gather [hbm4b:s21+s4], $0x80, v5, vm0, $0xb8;
	[tilespmem:$0x14580] =	vst v63  }
0x8f: {  	s17 =	simm.s32 $0x7D80  }
0x90: {  	[tilespmem:s17], [sflag:$0x1] =	stream.indirect_vreg.gather [hbm4b:s23+s4], $0x80, v5, vm0, $0xb8;
	[tilespmem:$0x14580] =	vst v63  }
0x91: {  	v5 =	vld [tilespmem:$0x10];
	_ =	sdelay $0x4  }
0x92: {  	v6 =	vshll.u32 v5, $0x3  }
0x93: {  	v5 =	vand.u32 $0x7, v5;
	v6 =	vand.u32 $0xFFFFFFC0, v6  }
0x94: {  	v5 =	vor.u32 v5, v6  }
0x95: {  	v6 =	vperm.xlane v5, v0;
	_ =	sdelay $0x1  }
0x96: {  	v6 =	vadd.s32 v1, v6;
	_ =	sdelay $0x3  }
0x97: {  	s14 =	simm.s32 $0x8580  }
0x98: {  	[tilespmem:s14], [sflag:$0x1] =	stream.indirect_vreg.gather [hbm4b:s1+s4], $0x80, v6, vm0, $0xb8;
	[tilespmem:$0x14580] =	vst v63  }
0x99: {  	s15 =	simm.s32 $0x8D80;
	v5 =	vperm.xlane v5, v2  }
0x9a: {  	[tilespmem:s15], [sflag:$0x1] =	stream.indirect_vreg.gather [hbm4b:s20+s4], $0x80, v6, vm0, $0xb8;
	[tilespmem:$0x14580] =	vst v63  }
0x9b: {  	s16 =	simm.s32 $0x9580;
	v5 =	vadd.s32 v1, v5  }
0x9c: {  	[tilespmem:s16], [sflag:$0x1] =	stream.indirect_vreg.gather [hbm4b:s21+s4], $0x80, v6, vm0, $0xb8;
	[tilespmem:$0x14580] =	vst v63  }
0x9d: {  	s17 =	simm.s32 $0x9D80  }
0x9e: {  	[tilespmem:s17], [sflag:$0x1] =	stream.indirect_vreg.gather [hbm4b:s23+s4], $0x80, v6, vm0, $0xb8;
	[tilespmem:$0x14580] =	vst v63  }
0x9f: {  	s14 =	simm.s32 $0xA580  }
0xa0: {  	[tilespmem:s14], [sflag:$0x1] =	stream.indirect_vreg.gather [hbm4b:s1+s4], $0x80, v5, vm0, $0xb8;
	[tilespmem:$0x14580] =	vst v63  }
0xa1: {  	s15 =	simm.s32 $0xAD80  }
0xa2: {  	[tilespmem:s15], [sflag:$0x1] =	stream.indirect_vreg.gather [hbm4b:s20+s4], $0x80, v5, vm0, $0xb8;
	[tilespmem:$0x14580] =	vst v63  }
0xa3: {  	s16 =	simm.s32 $0xB580  }
0xa4: {  	[tilespmem:s16], [sflag:$0x1] =	stream.indirect_vreg.gather [hbm4b:s21+s4], $0x80, v5, vm0, $0xb8;
	[tilespmem:$0x14580] =	vst v63  }
0xa5: {  	s13 =	simm.s32 $0x50;
	s17 =	simm.s32 $0xBD80;
	s14 =	simm.s32 $0x0  }
0xa6: {  	[tilespmem:s17], [sflag:$0x1] =	stream.indirect_vreg.gather [hbm4b:s23+s4], $0x80, v5, vm0, $0xb8;
	[tilespmem:$0x14580] =	vst v63  }
.LBB2_2:
0xa7: {  	p0 =	seq.s32 s14, $0x0  }
0xa8: {  	s15 =	simm.s32 @!p0 $0x4  }
0xa9: {  	_ =	swait.ge @!p0 [sflag:s15], $0x8000  }
0xaa: {  	[sflag:s15] =	ssyncset.done @!p0 $0x0  }
0xab: {  	[sflag:s15] =	ssyncadd.s32 @!p0 $0xFFFF8000  }
0xac: {  	v5 =	vld [tilespmem:s13+$0xFFFFFFD0];
	_ =	sdelay $0x4  }
0xad: {  	v6 =	vshll.u32 v5, $0x3  }
0xae: {  	v5 =	vand.u32 $0x7, v5;
	v6 =	vand.u32 $0xFFFFFFC0, v6  }
0xaf: {  	v5 =	vor.u32 v5, v6  }
0xb0: {  	v6 =	vperm.xlane v5, v0;
	_ =	sdelay $0x1  }
0xb1: {  	v6 =	vadd.s32 v1, v6;
	_ =	sdelay $0x4  }
0xb2: {  	[tilespmem:s29], [sflag:$0x2] =	stream.indirect_vreg.gather [hbm4b:s1+s4], $0x80, v6, vm0, $0xb8;
	[tilespmem:$0x14580] =	vst v63  }
0xb3: {  	s17 =	rddreg [dreg:$0x5];
	v5 =	vperm.xlane v5, v2  }
0xb4: {  	[tilespmem:s17], [sflag:$0x2] =	stream.indirect_vreg.gather [hbm4b:s20+s4], $0x80, v6, vm0, $0xb8;
	[tilespmem:$0x14580] =	vst v63  }
0xb5: {  	s16 =	rddreg [dreg:$0x6];
	v5 =	vadd.s32 v1, v5  }
0xb6: {  	[tilespmem:s16], [sflag:$0x2] =	stream.indirect_vreg.gather [hbm4b:s21+s4], $0x80, v6, vm0, $0xb8;
	[tilespmem:$0x14580] =	vst v63  }
0xb7: {  	s17 =	rddreg [dreg:$0x7]  }
0xb8: {  	[tilespmem:s17], [sflag:$0x2] =	stream.indirect_vreg.gather [hbm4b:s23+s4], $0x80, v6, vm0, $0xb8;
	[tilespmem:$0x14580] =	vst v63  }
0xb9: {  	s16 =	rddreg [dreg:$0x8]  }
0xba: {  	[tilespmem:s16], [sflag:$0x2] =	stream.indirect_vreg.gather [hbm4b:s1+s4], $0x80, v5, vm0, $0xb8;
	[tilespmem:$0x14580] =	vst v63  }
0xbb: {  	s17 =	rddreg [dreg:$0x9]  }
0xbc: {  	[tilespmem:s17], [sflag:$0x2] =	stream.indirect_vreg.gather [hbm4b:s20+s4], $0x80, v5, vm0, $0xb8;
	[tilespmem:$0x14580] =	vst v63  }
0xbd: {  	s16 =	rddreg [dreg:$0xa]  }
0xbe: {  	[tilespmem:s16], [sflag:$0x2] =	stream.indirect_vreg.gather [hbm4b:s21+s4], $0x80, v5, vm0, $0xb8;
	[tilespmem:$0x14580] =	vst v63  }
0xbf: {  	s17 =	rddreg [dreg:$0xb]  }
0xc0: {  	[tilespmem:s17], [sflag:$0x2] =	stream.indirect_vreg.gather [hbm4b:s23+s4], $0x80, v5, vm0, $0xb8;
	[tilespmem:$0x14580] =	vst v63  }
0xc1: {  	v5 =	vld [tilespmem:s13+$0xFFFFFFE0];
	_ =	sdelay $0x4  }
0xc2: {  	v6 =	vshll.u32 v5, $0x3  }
0xc3: {  	v5 =	vand.u32 $0x7, v5;
	v6 =	vand.u32 $0xFFFFFFC0, v6  }
0xc4: {  	v5 =	vor.u32 v5, v6  }
0xc5: {  	v6 =	vperm.xlane v5, v0;
	_ =	sdelay $0x1  }
0xc6: {  	v6 =	vadd.s32 v1, v6;
	_ =	sdelay $0x3  }
0xc7: {  	s17 =	rddreg [dreg:$0xc]  }
0xc8: {  	[tilespmem:s17], [sflag:$0x2] =	stream.indirect_vreg.gather [hbm4b:s1+s4], $0x80, v6, vm0, $0xb8;
	[tilespmem:$0x14580] =	vst v63  }
0xc9: {  	s16 =	rddreg [dreg:$0xd];
	v5 =	vperm.xlane v5, v2  }
0xca: {  	[tilespmem:s16], [sflag:$0x2] =	stream.indirect_vreg.gather [hbm4b:s20+s4], $0x80, v6, vm0, $0xb8;
	[tilespmem:$0x14580] =	vst v63  }
0xcb: {  	v5 =	vadd.s32 v1, v5;
	s17 =	rddreg [dreg:$0xe]  }
0xcc: {  	[tilespmem:s17], [sflag:$0x2] =	stream.indirect_vreg.gather [hbm4b:s21+s4], $0x80, v6, vm0, $0xb8;
	[tilespmem:$0x14580] =	vst v63  }
0xcd: {  	s16 =	rddreg [dreg:$0xf]  }
0xce: {  	[tilespmem:s16], [sflag:$0x2] =	stream.indirect_vreg.gather [hbm4b:s23+s4], $0x80, v6, vm0, $0xb8;
	[tilespmem:$0x14580] =	vst v63  }
0xcf: {  	s17 =	rddreg [dreg:$0x10]  }
0xd0: {  	[tilespmem:s17], [sflag:$0x2] =	stream.indirect_vreg.gather [hbm4b:s1+s4], $0x80, v5, vm0, $0xb8;
	[tilespmem:$0x14580] =	vst v63  }
0xd1: {  	s16 =	rddreg [dreg:$0x11]  }
0xd2: {  	[tilespmem:s16], [sflag:$0x2] =	stream.indirect_vreg.gather [hbm4b:s20+s4], $0x80, v5, vm0, $0xb8;
	[tilespmem:$0x14580] =	vst v63  }
0xd3: {  	s17 =	rddreg [dreg:$0x12]  }
0xd4: {  	[tilespmem:s17], [sflag:$0x2] =	stream.indirect_vreg.gather [hbm4b:s21+s4], $0x80, v5, vm0, $0xb8;
	[tilespmem:$0x14580] =	vst v63  }
0xd5: {  	_ = 	snop  }
0xd6: {  	[tilespmem:s0], [sflag:$0x2] =	stream.indirect_vreg.gather [hbm4b:s23+s4], $0x80, v5, vm0, $0xb8;
	[tilespmem:$0x14580] =	vst v63  }
0xd7: {  	_ =	swait.ge [sflag:s30], $0x8000  }
0xd8: {  	p0 =	seq.s32 s14, $0x340000;
	s17 =	rddreg [dreg:$0x4];
	[sflag:s30] =	ssyncset.done $0x0  }
0xd9: {  	s16 =	simm.s32 @!p0 $0x3;
	[sflag:s30] =	ssyncadd.s32 $0xFFFF8000;
	s15 =	sadd.s32 s14, s17  }
0xda: {  	[hbm4b:s15+s4] =	stream.linear.scatter [tilespmem:s31], [sflag:$0x3], $0x8000, $0x38;
	[tilespmem:$0x14580] =	vst v63  }
0xdb: {  	_ =	swait.ge @!p0 [sflag:s16], $0x8000  }
0xdc: {  	[sflag:s16] =	ssyncset.done @!p0 $0x0  }
0xdd: {  	[sflag:s16] =	ssyncadd.s32 @!p0 $0xFFFF8000  }
0xde: {  	v5 =	vld @!p0 [tilespmem:s13+$0xFFFFFFF0];
	_ =	sdelay $0x4  }
0xdf: {  	v6 =	vshll.u32 @!p0 v5, $0x3  }
0xe0: {  	v7 =	vlaneseq.u32 @!p0;
	v5 =	vand.u32 @!p0 $0x7, v5;
	v6 =	vand.u32 @!p0 $0xFFFFFFC0, v6  }
0xe1: {  	v8 =	vshrl.u32 @!p0 v7, $0x3;
	v5 =	vor.u32 @!p0 v5, v6;
	v6 =	vand.u32 @!p0 $0x7, v7  }
0xe2: {  	v8 =	vmul.u32 @!p0 $0x8, v8;
	v9 =	vperm.xlane @!p0 v5, v6;
	_ =	sdelay $0x1  }
0xe3: {  	v9 =	vadd.s32 @!p0 v8, v9;
	_ =	sdelay $0x3  }
0xe4: {  	vm1 =	vmmov @!p0 $0xffff;
	s17 =	simm.s32 @!p0 $0x4580;
	s16 =	simm.s32 @!p0 $0x0  }
0xe5: {  	v7 =	vor.u32 @!p0 $0x8, v7;
	[tilespmem:s17], [sflag:$0x1] =	stream.indirect_vreg.gather @!p0 [hbm4b:s1+s16], $0x80, v9, vm1, $0xb8;
	[tilespmem:$0x14580] =	vst v63  }
0xe6: {  	v5 =	vperm.xlane @!p0 v5, v7;
	s17 =	simm.s32 @!p0 $0x4D80  }
0xe7: {  	[tilespmem:s17], [sflag:$0x1] =	stream.indirect_vreg.gather @!p0 [hbm4b:s20+s16], $0x80, v9, vm1, $0xb8;
	[tilespmem:$0x14580] =	vst v63  }
0xe8: {  	v5 =	vadd.s32 @!p0 v8, v5;
	s17 =	simm.s32 @!p0 $0x5580  }
0xe9: {  	[tilespmem:s17], [sflag:$0x1] =	stream.indirect_vreg.gather @!p0 [hbm4b:s21+s16], $0x80, v9, vm1, $0xb8;
	[tilespmem:$0x14580] =	vst v63  }
0xea: {  	s17 =	simm.s32 @!p0 $0x5D80  }
0xeb: {  	[tilespmem:s17], [sflag:$0x1] =	stream.indirect_vreg.gather @!p0 [hbm4b:s23+s16], $0x80, v9, vm1, $0xb8;
	[tilespmem:$0x14580] =	vst v63  }
0xec: {  	s17 =	simm.s32 @!p0 $0x6580  }
0xed: {  	[tilespmem:s17], [sflag:$0x1] =	stream.indirect_vreg.gather @!p0 [hbm4b:s1+s16], $0x80, v5, vm1, $0xb8;
	[tilespmem:$0x14580] =	vst v63  }
0xee: {  	s17 =	simm.s32 @!p0 $0x6D80  }
0xef: {  	[tilespmem:s17], [sflag:$0x1] =	stream.indirect_vreg.gather @!p0 [hbm4b:s20+s16], $0x80, v5, vm1, $0xb8;
	[tilespmem:$0x14580] =	vst v63  }
0xf0: {  	s17 =	simm.s32 @!p0 $0x7580  }
0xf1: {  	[tilespmem:s17], [sflag:$0x1] =	stream.indirect_vreg.gather @!p0 [hbm4b:s21+s16], $0x80, v5, vm1, $0xb8;
	[tilespmem:$0x14580] =	vst v63  }
0xf2: {  	s17 =	simm.s32 @!p0 $0x7D80  }
0xf3: {  	[tilespmem:s17], [sflag:$0x1] =	stream.indirect_vreg.gather @!p0 [hbm4b:s23+s16], $0x80, v5, vm1, $0xb8;
	[tilespmem:$0x14580] =	vst v63  }
0xf4: {  	v5 =	vld @!p0 [tilespmem:s13+$0x0];
	_ =	sdelay $0x4  }
0xf5: {  	v9 =	vshll.u32 @!p0 v5, $0x3  }
0xf6: {  	v5 =	vand.u32 @!p0 $0x7, v5;
	v9 =	vand.u32 @!p0 $0xFFFFFFC0, v9  }
0xf7: {  	v5 =	vor.u32 @!p0 v5, v9  }
0xf8: {  	v6 =	vperm.xlane @!p0 v5, v6;
	_ =	sdelay $0x1  }
0xf9: {  	v6 =	vadd.s32 @!p0 v8, v6;
	_ =	sdelay $0x3  }
0xfa: {  	s17 =	simm.s32 @!p0 $0x8580  }
0xfb: {  	[tilespmem:s17], [sflag:$0x1] =	stream.indirect_vreg.gather @!p0 [hbm4b:s1+s16], $0x80, v6, vm1, $0xb8;
	[tilespmem:$0x14580] =	vst v63  }
0xfc: {  	v5 =	vperm.xlane @!p0 v5, v7;
	s17 =	simm.s32 @!p0 $0x8D80  }
0xfd: {  	[tilespmem:s17], [sflag:$0x1] =	stream.indirect_vreg.gather @!p0 [hbm4b:s20+s16], $0x80, v6, vm1, $0xb8;
	[tilespmem:$0x14580] =	vst v63  }
0xfe: {  	v5 =	vadd.s32 @!p0 v8, v5;
	s17 =	simm.s32 @!p0 $0x9580  }
0xff: {  	[tilespmem:s17], [sflag:$0x1] =	stream.indirect_vreg.gather @!p0 [hbm4b:s21+s16], $0x80, v6, vm1, $0xb8;
	[tilespmem:$0x14580] =	vst v63  }
0x100: {  	s17 =	simm.s32 @!p0 $0x9D80  }
0x101: {  	[tilespmem:s17], [sflag:$0x1] =	stream.indirect_vreg.gather @!p0 [hbm4b:s23+s16], $0x80, v6, vm1, $0xb8;
	[tilespmem:$0x14580] =	vst v63  }
0x102: {  	s17 =	simm.s32 @!p0 $0xA580  }
0x103: {  	[tilespmem:s17], [sflag:$0x1] =	stream.indirect_vreg.gather @!p0 [hbm4b:s1+s16], $0x80, v5, vm1, $0xb8;
	[tilespmem:$0x14580] =	vst v63  }
0x104: {  	s17 =	simm.s32 @!p0 $0xAD80  }
0x105: {  	[tilespmem:s17], [sflag:$0x1] =	stream.indirect_vreg.gather @!p0 [hbm4b:s20+s16], $0x80, v5, vm1, $0xb8;
	[tilespmem:$0x14580] =	vst v63  }
0x106: {  	s17 =	simm.s32 @!p0 $0xB580  }
0x107: {  	[tilespmem:s17], [sflag:$0x1] =	stream.indirect_vreg.gather @!p0 [hbm4b:s21+s16], $0x80, v5, vm1, $0xb8;
	[tilespmem:$0x14580] =	vst v63  }
0x108: {  	s14 =	sadd.s32 $0x40000, s14;
	s17 =	simm.s32 @!p0 $0xBD80  }
0x109: {  	[tilespmem:s17], [sflag:$0x1] =	stream.indirect_vreg.gather @!p0 [hbm4b:s23+s16], $0x80, v5, vm1, $0xb8;
	[tilespmem:$0x14580] =	vst v63  }
0x10a: {  	p0 =	sne.s32 s14, $0x380000  }
.Ltmp2:
0x10b: {  	_ = 	snop;
	(pc) =	sbr.rel @p0 .LBB2_2-.Ltmp2, $4  }
0x10c: {  	_ =	swait.ge [sflag:s3], $0x8000  }
0x10d: {  	[sflag:s3] =	ssyncset.done $0x0  }
0x10e: {  	s15 =	sadd.s32 $0x1000, s15;
	s13 =	sadd.s32 $0x40, s13;
	[sflag:s3] =	ssyncadd.s32 $0xFFFF8000  }
0x10f: {  	[hbm4b:s15+s4] =	stream.linear.scatter [tilespmem:s29], [sflag:$0x4], $0x8000, $0x38;
	[tilespmem:$0x14580] =	vst v63  }
0x110: {  	_ =	swait.ge [sflag:s28], $0x8000  }
0x111: {  	[sflag:s28] =	ssyncset.done $0x0  }
0x112: {  	[sflag:s28] =	ssyncadd.s32 $0xFFFF8000  }
0x113: {  	_ =	swait.ge [sflag:s5], $0x8000  }
0x114: {  	[sflag:s5] =	ssyncset.done $0x0  }
0x115: {  	[sflag:s5] =	ssyncadd.s32 $0xFFFF8000  }
0x116: {  	v5 =	vld.msk [tilespmem:$0x380], $0xf;
	_ =	sdelay $0x4  }
0x117: {  	v6 =	vshll.u32 v5, $0x3  }
0x118: {  	v5 =	vand.u32 $0x7, v5;
	v6 =	vand.u32 $0xFFFFFFC0, v6  }
0x119: {  	v5 =	vor.u32 v5, v6  }
0x11a: {  	v5 =	vperm.xlane v5, v3;
	_ =	sdelay $0x1  }
0x11b: {  	v5 =	vadd.s32 v4, v5;
	_ =	sdelay $0x3  }
0x11c: {  	s13 =	simm.s32 $0x0  }
0x11d: {  	[tilespmem:s6], [sflag:$0x1] =	stream.indirect_vreg.gather [hbm4b:s1+s13], $0x80, v5, vm0, $0xb8;
	[tilespmem:$0x14580] =	vst v63  }
0x11e: {  	s14 =	simm.s32 $0xD80  }
0x11f: {  	[tilespmem:s14], [sflag:$0x1] =	stream.indirect_vreg.gather [hbm4b:s21+s13], $0x80, v5, vm0, $0xb8;
	[tilespmem:$0x14580] =	vst v63  }
0x120: {  	v5 =	vld.msk [tilespmem:$0x388], $0xf;
	_ =	sdelay $0x4  }
0x121: {  	v6 =	vshll.u32 v5, $0x3  }
0x122: {  	v5 =	vand.u32 $0x7, v5;
	v6 =	vand.u32 $0xFFFFFFC0, v6  }
0x123: {  	v5 =	vor.u32 v5, v6  }
0x124: {  	v5 =	vperm.xlane v5, v3;
	_ =	sdelay $0x1  }
0x125: {  	v5 =	vadd.s32 v4, v5;
	_ =	sdelay $0x2  }
.Ltmp3:
0x126: {  	_ = 	snop;
	(pc) =	sbr.rel .LBB2_4-.Ltmp3, $4  }
0x127: {  	_ = 	snop  }
0x128: {  	[tilespmem:s7], [sflag:$0x1] =	stream.indirect_vreg.gather [hbm4b:s1+s13], $0x80, v5, vm0, $0xb8;
	[tilespmem:$0x14580] =	vst v63  }
0x129: {  	s17 =	simm.s32 $0x1D80;
	s15 =	simm.s32 $0x0;
	s14 =	simm.s32 $0x398  }
0x12a: {  	[tilespmem:s17], [sflag:$0x1] =	stream.indirect_vreg.gather [hbm4b:s21+s13], $0x80, v5, vm0, $0xb8;
	[tilespmem:$0x14580] =	vst v63  }
.LBB2_10:
0x12b: {  	p0 =	seq.s32 s13, $0x7C00  }
0x12c: {  	s16 =	simm.s32 @!p0 $0x3  }
0x12d: {  	_ =	swait.ge @!p0 [sflag:s16], $0x1000  }
0x12e: {  	[sflag:s16] =	ssyncset.done @!p0 $0x0  }
0x12f: {  	[sflag:s16] =	ssyncadd.s32 @!p0 $0xFFFFF000  }
0x130: {  	_ =	swait.ge @!p0 [sflag:s16], $0x1000  }
0x131: {  	[sflag:s16] =	ssyncset.done @!p0 $0x0  }
0x132: {  	[sflag:s16] =	ssyncadd.s32 @!p0 $0xFFFFF000  }
0x133: {  	v5 =	vld.msk @!p0 [tilespmem:s14+$0xFFFFFFF8], $0xf;
	_ =	sdelay $0x4  }
0x134: {  	v6 =	vshll.u32 @!p0 v5, $0x3  }
0x135: {  	v7 =	vlaneseq.u32 @!p0;
	v5 =	vand.u32 @!p0 $0x7, v5;
	v6 =	vand.u32 @!p0 $0xFFFFFFC0, v6  }
0x136: {  	v5 =	vor.u32 @!p0 v5, v6;
	v6 =	vand.u32 @!p0 $0x3, v7;
	v7 =	vshrl.u32 @!p0 v7, $0x2  }
0x137: {  	v5 =	vperm.xlane @!p0 v5, v6;
	v7 =	vmul.u32 @!p0 $0x8, v7;
	_ =	sdelay $0x1  }
0x138: {  	v5 =	vadd.s32 @!p0 v7, v5;
	_ =	sdelay $0x3  }
0x139: {  	vm1 =	vmmov @!p0 $0xffff;
	s17 =	simm.s32 @!p0 $0x580;
	s16 =	simm.s32 @!p0 $0x0  }
0x13a: {  	[tilespmem:s17], [sflag:$0x1] =	stream.indirect_vreg.gather @!p0 [hbm4b:s1+s16], $0x80, v5, vm1, $0xb8;
	[tilespmem:$0x14580] =	vst v63  }
0x13b: {  	s17 =	simm.s32 @!p0 $0xD80  }
0x13c: {  	[tilespmem:s17], [sflag:$0x1] =	stream.indirect_vreg.gather @!p0 [hbm4b:s21+s16], $0x80, v5, vm1, $0xb8;
	[tilespmem:$0x14580] =	vst v63  }
0x13d: {  	v5 =	vld.msk @!p0 [tilespmem:s14+$0x0], $0xf;
	_ =	sdelay $0x4  }
0x13e: {  	v8 =	vshll.u32 @!p0 v5, $0x3  }
0x13f: {  	v5 =	vand.u32 @!p0 $0x7, v5;
	v8 =	vand.u32 @!p0 $0xFFFFFFC0, v8  }
0x140: {  	v5 =	vor.u32 @!p0 v5, v8  }
0x141: {  	v5 =	vperm.xlane @!p0 v5, v6;
	_ =	sdelay $0x1  }
0x142: {  	v5 =	vadd.s32 @!p0 v7, v5;
	_ =	sdelay $0x3  }
0x143: {  	s17 =	simm.s32 @!p0 $0x1580  }
0x144: {  	[tilespmem:s17], [sflag:$0x1] =	stream.indirect_vreg.gather @!p0 [hbm4b:s1+s16], $0x80, v5, vm1, $0xb8;
	[tilespmem:$0x14580] =	vst v63  }
0x145: {  	s17 =	simm.s32 @!p0 $0x1D80  }
0x146: {  	[tilespmem:s17], [sflag:$0x1] =	stream.indirect_vreg.gather @!p0 [hbm4b:s21+s16], $0x80, v5, vm1, $0xb8;
	[tilespmem:$0x14580] =	vst v63  }
0x147: {  	_ =	swait.ge [sflag:s3], $0x1000  }
0x148: {  	[sflag:s3] =	ssyncset.done $0x0  }
0x149: {  	[sflag:s3] =	ssyncadd.s32 $0xFFFFF000  }
0x14a: {  	_ =	swait.ge [sflag:s3], $0x1000  }
0x14b: {  	[sflag:s3] =	ssyncset.done $0x0  }
0x14c: {  	s17 =	sadd.s32 s13, s26;
	[sflag:s3] =	ssyncadd.s32 $0xFFFFF000  }
0x14d: {  	[hbm4b:s17+s4] =	stream.linear.scatter [tilespmem:s8], [sflag:$0x4], $0x1000, $0x38;
	[tilespmem:$0x14580] =	vst v63  }
0x14e: {  	s16 =	sadd.s32 $0x200, s17  }
0x14f: {  	[hbm4b:s16+s4] =	stream.linear.scatter [tilespmem:s10], [sflag:$0x4], $0x1000, $0x38;
	[tilespmem:$0x14580] =	vst v63  }
.LBB2_11:
0x150: {  	s13 =	sadd.s32 $0x400, s13  }
0x151: {  	p0 =	sne.s32 s13, $0x8000  }
.Ltmp4:
0x152: {  	_ = 	snop;
	(pc) =	sbr.rel @!p0 .LBB2_12-.Ltmp4, $2  }
0x153: {  	_ =	sdelay $0x2  }
0x154: {  	s15 =	sadd.s32 $0x1, s15;
	s14 =	sadd.s32 $0x10, s14  }
.LBB2_4:
0x155: {  	s16 =	sand.u32 $0x1, s15  }
0x156: {  	p0 =	seq.s32 s16, $0x1  }
.Ltmp5:
0x157: {  	_ = 	snop;
	(pc) =	sbr.rel @p0 .LBB2_10-.Ltmp5, $1  }
0x158: {  	_ =	sdelay $0x3  }
0x159: {  	p0 =	seq.s32 s13, $0x0  }
.Ltmp6:
0x15a: {  	_ = 	snop;
	(pc) =	sbr.rel @p0 .LBB2_8-.Ltmp6, $1  }
0x15b: {  	_ =	sdelay $0x3  }
0x15c: {  	p0 =	seq.s32 s13, $0x7C00  }
.Ltmp7:
0x15d: {  	_ = 	snop;
	(pc) =	sbr.rel @p0 .LBB2_9-.Ltmp7, $1  }
0x15e: {  	_ =	sdelay $0x3  }
0x15f: {  	_ =	swait.ge [sflag:s5], $0x1000  }
0x160: {  	[sflag:s5] =	ssyncset.done $0x0  }
0x161: {  	[sflag:s5] =	ssyncadd.s32 $0xFFFFF000  }
0x162: {  	_ =	swait.ge [sflag:s5], $0x1000  }
0x163: {  	[sflag:s5] =	ssyncset.done $0x0  }
0x164: {  	[sflag:s5] =	ssyncadd.s32 $0xFFFFF000  }
.LBB2_8:
0x165: {  	v5 =	vld.msk [tilespmem:s14+$0xFFFFFFF8], $0xf;
	_ =	sdelay $0x4  }
0x166: {  	v6 =	vshll.u32 v5, $0x3  }
0x167: {  	v5 =	vand.u32 $0x7, v5;
	v6 =	vand.u32 $0xFFFFFFC0, v6  }
0x168: {  	v5 =	vor.u32 v5, v6  }
0x169: {  	v5 =	vperm.xlane v5, v3;
	_ =	sdelay $0x1  }
0x16a: {  	v5 =	vadd.s32 v4, v5;
	_ =	sdelay $0x4  }
0x16b: {  	[tilespmem:s8], [sflag:$0x2] =	stream.indirect_vreg.gather [hbm4b:s1+s4], $0x80, v5, vm0, $0xb8;
	[tilespmem:$0x14580] =	vst v63  }
0x16c: {  	_ = 	snop  }
0x16d: {  	[tilespmem:s9], [sflag:$0x2] =	stream.indirect_vreg.gather [hbm4b:s21+s4], $0x80, v5, vm0, $0xb8;
	[tilespmem:$0x14580] =	vst v63  }
0x16e: {  	v5 =	vld.msk [tilespmem:s14+$0x0], $0xf;
	_ =	sdelay $0x4  }
0x16f: {  	v6 =	vshll.u32 v5, $0x3  }
0x170: {  	v5 =	vand.u32 $0x7, v5;
	v6 =	vand.u32 $0xFFFFFFC0, v6  }
0x171: {  	v5 =	vor.u32 v5, v6  }
0x172: {  	v5 =	vperm.xlane v5, v3;
	_ =	sdelay $0x1  }
0x173: {  	v5 =	vadd.s32 v4, v5;
	_ =	sdelay $0x4  }
0x174: {  	[tilespmem:s10], [sflag:$0x2] =	stream.indirect_vreg.gather [hbm4b:s1+s4], $0x80, v5, vm0, $0xb8;
	[tilespmem:$0x14580] =	vst v63  }
0x175: {  	_ = 	snop  }
0x176: {  	[tilespmem:s11], [sflag:$0x2] =	stream.indirect_vreg.gather [hbm4b:s21+s4], $0x80, v5, vm0, $0xb8;
	[tilespmem:$0x14580] =	vst v63  }
.LBB2_9:
0x177: {  	_ =	swait.ge [sflag:s30], $0x1000  }
0x178: {  	[sflag:s30] =	ssyncset.done $0x0  }
0x179: {  	[sflag:s30] =	ssyncadd.s32 $0xFFFFF000  }
0x17a: {  	s16 =	sadd.s32 s13, s22;
	_ =	swait.ge [sflag:s30], $0x1000  }
.Ltmp8:
0x17b: {  	s16 =	sand.u32 $0x1FFFF800, s16;
	[sflag:s30] =	ssyncset.done $0x0;
	(pc) =	sbr.rel .LBB2_11-.Ltmp8, $4  }
0x17c: {  	s17 =	sadd.s32 s2, s16;
	[sflag:s30] =	ssyncadd.s32 $0xFFFFF000  }
0x17d: {  	[hbm4b:s17+s4] =	stream.linear.scatter [tilespmem:s6], [sflag:$0x3], $0x1000, $0x38;
	[tilespmem:$0x14580] =	vst v63  }
0x17e: {  	s16 =	sadd.s32 s16, s24  }
0x17f: {  	[hbm4b:s16+s4] =	stream.linear.scatter [tilespmem:s7], [sflag:$0x3], $0x1000, $0x38;
	[tilespmem:$0x14580] =	vst v63  }
.LBB2_13:
0x180: {  	_ =	sfence.sel $0x180000  }
0x181: {  	[bflag:$0x0] =	sbarrier.arrive $0xFFFF  }
0x182: {  	_ =	strace $0x90000047  }
0x183: {  	s0 =	stileid.u32;
	[bflag:$0x2] =	sbarrier.arrive $0xFFFF  }
0x184: {  	p0 =	sne.s32 s0, $0x0;
	s0 =	rddreg [dreg:$0x3]  }
0x185: {  	s0 =	sadd.s32 @!p0 $0x100000, s0  }
0x186: {  	[sflag:s0] =	ssyncadd.tile.s32 @!p0 $0x1;
	_ =	shalt  }
.Lfunc_end2:
_tile_overlayer_lowered:
.L_overlay_start_2:
0x187: {  	(tag) =	ssettag $0x2  }
0x188: {  	s0 =	rddreg [dreg:$0x0];
	s2 =	stileid.u32  }
0x189: {  	s1 =	rddreg [dreg:$0x1];
	p0 =	sne.s32 s2, $0x0  }
0x18a: {  	s3 =	rddreg [dreg:$0x2];
	[bflag:$0x3] =	sbarrier.arrive $0xFFFF;
	s2 =	simm.s32 @!p0 $0x1C05  }
0x18b: {  	[timem:s3], [sflag:s2] =	dma.local @!p0 [hbm:s0], s1  }
0x18c: {  	s0 =	simm.s32 @!p0 $0x5  }
0x18d: {  	_ =	swait.ge @!p0 [sflag:s0], s1  }
0x18e: {  	s1 =	ssub.s32 @!p0 $0x0, s1;
	[sflag:s0] =	ssyncset.done @!p0 $0x0  }
0x18f: {  	[sflag:s0] =	ssyncadd.s32 @!p0 s1  }
0x190: {  	[bflag:$0x3] =	sbarrier.arrive $0xFFFF  }
0x191: {  	_ =	shalt  }

</sc_bundles>
